<compile_context>
chip_gen: v7x
topology: tpu7x:2x2x1
jax: 0.10.2.dev20260603
libtpu: 0.0.44.dev20260713+nightly
codegen_flags: <defaults>
</compile_context>

<pallas_src>
import functools

import jax
import jax.numpy as jnp
from jax import lax
from jax.experimental import pallas as pl
from jax.experimental.pallas import tpu as pltpu
from jax.experimental.pallas import tpu_sc as plsc

_NUM_CORES = 2
_NUM_SUBCORES = 16
_LANES = 16
_SRC_BLOCK = 8


def _round_bf16(x):
  u = lax.bitcast_convert_type(x, jnp.uint32)
  r = (u + jnp.uint32(0x7FFF) + ((u >> jnp.uint32(16)) & jnp.uint32(1)))
  r = r & jnp.uint32(0xFFFF0000)
  return lax.bitcast_convert_type(r, jnp.float32)


def _chamfer_body(B, N, M, sx_hbm, sy_hbm, sz_hbm, tx_hbm, ty_hbm, tz_hbm,
                  out_hbm, part_hbm, txr, tyr, tzr, tqr, sxr, syr, szr, minr,
                  vaccr, tmpr, outr):
  num_workers = _NUM_CORES * _NUM_SUBCORES
  sub_per_batch = num_workers // B
  batches_per_core = B // _NUM_CORES
  chunk_n = N // sub_per_batch
  m_steps = M // _LANES
  n_chunks = chunk_n // _LANES
  n_blocks = chunk_n // _SRC_BLOCK

  c = lax.axis_index("c")
  s = lax.axis_index("s")
  b = batches_per_core * c + s // sub_per_batch
  chunk = s % sub_per_batch
  base = chunk * chunk_n

  pltpu.sync_copy(tx_hbm.at[b], txr)
  pltpu.sync_copy(ty_hbm.at[b], tyr)
  pltpu.sync_copy(tz_hbm.at[b], tzr)
  pltpu.sync_copy(sx_hbm.at[b, pl.ds(base, chunk_n)], sxr)
  pltpu.sync_copy(sy_hbm.at[b, pl.ds(base, chunk_n)], syr)
  pltpu.sync_copy(sz_hbm.at[b, pl.ds(base, chunk_n)], szr)

  def p0(mc, carry):
    off = pl.multiple_of(mc * _LANES, _LANES)
    tx = txr[pl.ds(off, _LANES)]
    ty = tyr[pl.ds(off, _LANES)]
    tz = tzr[pl.ds(off, _LANES)]
    tqr[pl.ds(off, _LANES)] = tx * tx + ty * ty + tz * tz
    txr[pl.ds(off, _LANES)] = _round_bf16(tx)
    tyr[pl.ds(off, _LANES)] = _round_bf16(ty)
    tzr[pl.ds(off, _LANES)] = _round_bf16(tz)
    return carry

  lax.fori_loop(0, m_steps, p0, 0, unroll=4)

  inf16 = jnp.full((_LANES,), jnp.inf, jnp.float32)
  lane = lax.iota(jnp.int32, _LANES)

  def blk(bi, carry):
    p = pl.multiple_of(bi * _LANES, _LANES)
    sxv = _round_bf16(sxr[pl.ds(p, _LANES)])
    syv = _round_bf16(syr[pl.ds(p, _LANES)])
    szv = _round_bf16(szr[pl.ds(p, _LANES)])
    dv = jnp.zeros((_LANES,), jnp.float32)
    for h in range(_LANES // _SRC_BLOCK):
      idx0 = h * _SRC_BLOCK
      bxs = [jnp.broadcast_to(sxv[idx0 + j], (_LANES,)) * -2.0
             for j in range(_SRC_BLOCK)]
      bys = [jnp.broadcast_to(syv[idx0 + j], (_LANES,)) * -2.0
             for j in range(_SRC_BLOCK)]
      bzs = [jnp.broadcast_to(szv[idx0 + j], (_LANES,)) * -2.0
             for j in range(_SRC_BLOCK)]

      def mstep(mc, mins):
        off = pl.multiple_of(mc * _LANES, _LANES)
        tx = txr[pl.ds(off, _LANES)]
        ty = tyr[pl.ds(off, _LANES)]
        tz = tzr[pl.ds(off, _LANES)]
        tq = tqr[pl.ds(off, _LANES)]
        return tuple(
            jnp.minimum(mins[j], tq + bxs[j] * tx + bys[j] * ty + bzs[j] * tz)
            for j in range(_SRC_BLOCK))

      mins = lax.fori_loop(0, m_steps, mstep, (inf16,) * _SRC_BLOCK, unroll=2)
      for j in range(_SRC_BLOCK):
        mval = jnp.min(mins[j])
        dv = jnp.where(lane == (idx0 + j), jnp.broadcast_to(mval, (_LANES,)),
                       dv)
    minr[pl.ds(p, _LANES)] = dv
    return carry

  lax.fori_loop(0, chunk_n // _LANES, blk, 0)

  def p2(ci, vacc):
    off = pl.multiple_of(ci * _LANES, _LANES)
    mv = minr[pl.ds(off, _LANES)]
    sx = sxr[pl.ds(off, _LANES)]
    sy = syr[pl.ds(off, _LANES)]
    sz = szr[pl.ds(off, _LANES)]
    return vacc + jnp.maximum(mv + sx * sx + sy * sy + sz * sz, 0.0)

  vacc = lax.fori_loop(0, n_chunks, p2, jnp.zeros((_LANES,), jnp.float32),
                       unroll=4)
  vaccr[...] = vacc

  pltpu.sync_copy(vaccr, part_hbm.at[c, s])
  plsc.subcore_barrier()

  @pl.when(chunk == 0)
  def _():
    off = pl.multiple_of((s // sub_per_batch) * sub_per_batch, 8)
    pltpu.sync_copy(part_hbm.at[c, pl.ds(off, sub_per_batch)], tmpr)
    tot = tmpr[0]
    for j in range(1, sub_per_batch):
      tot = tot + tmpr[j]
    tot = tot * jnp.float32(1.0 / N)
    total = jnp.sum(tot)
    outr[...] = jnp.broadcast_to(total, (_LANES,))
    pltpu.sync_copy(outr, out_hbm.at[b])


def _build_sc_call(B, N, M):
  sub_per_batch = (_NUM_CORES * _NUM_SUBCORES) // B
  chunk_n = N // sub_per_batch
  mesh = plsc.VectorSubcoreMesh(
      core_axis_name="c", subcore_axis_name="s",
      num_cores=_NUM_CORES, num_subcores=_NUM_SUBCORES)
  f32 = jnp.float32
  return pl.kernel(
      functools.partial(_chamfer_body, B, N, M),
      out_type=(jax.ShapeDtypeStruct((B, _LANES), f32),
                jax.ShapeDtypeStruct((_NUM_CORES, _NUM_SUBCORES, _LANES),
                                     f32)),
      mesh=mesh,
      scratch_types=[
          pltpu.VMEM((M,), f32),
          pltpu.VMEM((M,), f32),
          pltpu.VMEM((M,), f32),
          pltpu.VMEM((M,), f32),
          pltpu.VMEM((chunk_n,), f32),
          pltpu.VMEM((chunk_n,), f32),
          pltpu.VMEM((chunk_n,), f32),
          pltpu.VMEM((chunk_n,), f32),
          pltpu.VMEM((_LANES,), f32),
          pltpu.VMEM((sub_per_batch, _LANES), f32),
          pltpu.VMEM((_LANES,), f32),
      ],
      compiler_params=pltpu.CompilerParams(needs_layout_passes=False),
      name="chamfer_sc",
  )


@jax.jit
def kernel(src_points, target_verts):
  B, N, _ = src_points.shape
  M = target_verts.shape[1]
  sx = src_points[:, :, 0]
  sy = src_points[:, :, 1]
  sz = src_points[:, :, 2]
  tx = target_verts[:, :, 0]
  ty = target_verts[:, :, 1]
  tz = target_verts[:, :, 2]
  out, _ = _build_sc_call(B, N, M)(sx, sy, sz, tx, ty, tz)
  return out[:, 0]

# --- scband reference (transcript-rebuilt; emitter-appended) ---
"""Pipeline reference for scband-chamfer-loss-46136538694019 (READ-ONLY COPY).

The authoritative reference and input builder live on the scoring server;
editing this copy changes nothing except your own understanding.
"""

import jax, jax.numpy as jnp
import numpy as np


def setup_inputs(seed: int = 0) -> dict:
    key = jax.random.key(seed)
    k1, k2 = jax.random.split(key)
    src_points = jax.random.normal(k1, (4, 4096, 3), dtype=jnp.float32)
    target_verts = jax.random.normal(k2, (4, 4096, 3), dtype=jnp.float32)
    return {"src_points": src_points, "target_verts": target_verts}


def reference(src_points, target_verts):
    # ChamferLoss.forward with target_faces=None: the warp mesh is built from
    # degenerate one-vertex triangles, so the closest point on the mesh for each
    # source point is exactly the nearest target vertex. The kernel atomically
    # accumulates squared distances per batch, then divides by num_src_per_batch.
    B, N, _ = src_points.shape
    # squared pairwise distances via the expansion ||a||^2 + ||b||^2 - 2 a.b
    src_sq = jnp.sum(src_points * src_points, axis=-1)          # (B, N)
    tgt_sq = jnp.sum(target_verts * target_verts, axis=-1)      # (B, M)
    cross = jnp.einsum('bnd,bmd->bnm', src_points, target_verts)  # (B, N, M)
    d2 = src_sq[:, :, None] + tgt_sq[:, None, :] - 2.0 * cross
    d2 = jnp.maximum(d2, 0.0)
    min_d2 = jnp.min(d2, axis=-1)                                # (B, N)
    loss = jnp.sum(min_d2, axis=1) / jnp.float32(N)              # (B,)
    return loss

if __name__ == "__main__":
    import jax
    _d = setup_inputs()
    print(jax.jit(kernel)(*tuple(_d.values())))

</pallas_src>

<mosaic_0001>
#map = affine_map<(d0, d1) -> (0, 0)>
#map1 = affine_map<(d0, d1) -> (0, 0, 0)>
module attributes {stable_mosaic.version = 14 : i64} {
  func.func @chamfer_sc(%arg0: i32, %arg1: i32, %arg2: memref<4x4096xf32, #tpu.memory_space<hbm>>, %arg3: memref<4x4096xf32, #tpu.memory_space<hbm>>, %arg4: memref<4x4096xf32, #tpu.memory_space<hbm>>, %arg5: memref<4x4096xf32, #tpu.memory_space<hbm>>, %arg6: memref<4x4096xf32, #tpu.memory_space<hbm>>, %arg7: memref<4x4096xf32, #tpu.memory_space<hbm>>, %arg8: memref<4x16xf32, #tpu.memory_space<hbm>>, %arg9: memref<2x16x16xf32, #tpu.memory_space<hbm>>, %arg10: memref<4096xf32, #tpu.memory_space<vmem>>, %arg11: memref<4096xf32, #tpu.memory_space<vmem>>, %arg12: memref<4096xf32, #tpu.memory_space<vmem>>, %arg13: memref<4096xf32, #tpu.memory_space<vmem>>, %arg14: memref<512xf32, #tpu.memory_space<vmem>>, %arg15: memref<512xf32, #tpu.memory_space<vmem>>, %arg16: memref<512xf32, #tpu.memory_space<vmem>>, %arg17: memref<512xf32, #tpu.memory_space<vmem>>, %arg18: memref<16xf32, #tpu.memory_space<vmem>>, %arg19: memref<8x16xf32, #tpu.memory_space<vmem>>, %arg20: memref<16xf32, #tpu.memory_space<vmem>>) attributes {dimension_semantics = [#tpu.dimension_semantics<core_parallel>, #tpu.dimension_semantics<subcore_parallel>], iteration_bounds = array<i64: 2, 16>, scalar_prefetch = 0 : i64, scratch_operands = 11 : i64, tpu.core_type = #tpu.core_type<sc_vector_subcore>, window_params = [{transform_indices = #map}, {transform_indices = #map}, {transform_indices = #map}, {transform_indices = #map}, {transform_indices = #map}, {transform_indices = #map}, {transform_indices = #map}, {transform_indices = #map1}]} {
    %mul3A = arith.constant 2 : i32
    %mul3A_0 = arith.muli %mul3A, %arg0 : i32
    %jit3A = arith.constant 8 : i32
    %div3A = arith.divsi %arg1, %jit3A : i32
    %sign3A = arith.constant 0 : i32
    %sign3A_1 = arith.cmpi sgt, %arg1, %sign3A : i32
    %sign3A_2 = arith.extui %sign3A_1 : i1 to i32
    %sign3A_3 = arith.constant 0 : i32
    %sign3A_4 = arith.cmpi slt, %arg1, %sign3A_3 : i32
    %sign3A_5 = arith.extui %sign3A_4 : i1 to i32
    %sign3A_6 = arith.subi %sign3A_2, %sign3A_5 : i32
    %sign3A_7 = arith.constant 0 : i32
    %sign3A_8 = arith.cmpi sgt, %jit3A, %sign3A_7 : i32
    %sign3A_9 = arith.extui %sign3A_8 : i1 to i32
    %sign3A_10 = arith.constant 0 : i32
    %sign3A_11 = arith.cmpi slt, %jit3A, %sign3A_10 : i32
    %sign3A_12 = arith.extui %sign3A_11 : i1 to i32
    %sign3A_13 = arith.subi %sign3A_9, %sign3A_12 : i32
    %ne3A = arith.cmpi ne, %sign3A_6, %sign3A_13 : i32
    %rem3A = arith.remsi %arg1, %jit3A : i32
    %ne3A_14 = arith.constant 0 : i32
    %ne3A_15 = arith.cmpi ne, %rem3A, %ne3A_14 : i32
    %and3A = arith.andi %ne3A, %ne3A_15 : i1
    %sub3A = arith.constant 1 : i32
    %sub3A_16 = arith.subi %div3A, %sub3A : i32
    %select_n3A = arith.select %and3A, %sub3A_16, %div3A : i32
    %add3A = arith.addi %mul3A_0, %select_n3A : i32
    %jit3A_17 = arith.constant 8 : i32
    %eq3A = arith.constant 0 : i32
    %eq3A_18 = arith.cmpi eq, %jit3A_17, %eq3A : i32
    %jit3A_19 = arith.constant 1 : i32
    %select_n3A_20 = arith.select %eq3A_18, %jit3A_19, %jit3A_17 : i32
    %rem3A_21 = arith.remsi %arg1, %select_n3A_20 : i32
    %ne3A_22 = arith.constant 0 : i32
    %ne3A_23 = arith.cmpi ne, %rem3A_21, %ne3A_22 : i32
    %lt3A = arith.constant 0 : i32
    %lt3A_24 = arith.cmpi slt, %rem3A_21, %lt3A : i32
    %lt3A_25 = arith.constant 0 : i32
    %lt3A_26 = arith.cmpi slt, %select_n3A_20, %lt3A_25 : i32
    %ne3A_27 = arith.xori %lt3A_24, %lt3A_26 : i1
    %and3A_28 = arith.andi %ne3A_27, %ne3A_23 : i1
    %add3A_29 = arith.addi %rem3A_21, %select_n3A_20 : i32
    %select_n3A_30 = arith.select %and3A_28, %add3A_29, %rem3A_21 : i32
    %mul3A_31 = arith.constant 512 : i32
    %mul3A_32 = arith.muli %select_n3A_30, %mul3A_31 : i32
    "tpu.region"() ({
      %run_scoped3A = tpu.sem_alloc : memref<!tpu.dma_semaphore, #tpu.memory_space<semaphore_mem>>
      %dma_start3A = arith.constant 0 : i32
      %dma_start3A_57 = tpu.memref_slice %arg5[%add3A, %dma_start3A] : memref<4x4096xf32, #tpu.memory_space<hbm>> -> memref<1x4096xf32, #tpu.memory_space<hbm>>
      %dma_start3A_58 = tpu.memref_squeeze %dma_start3A_57 : memref<1x4096xf32, #tpu.memory_space<hbm>> -> memref<4096xf32, #tpu.memory_space<hbm>>
      %dma_start3A_59 = arith.constant 0 : i32
      %dma_start3A_60 = tpu.memref_slice %arg5[%add3A, %dma_start3A_59] : memref<4x4096xf32, #tpu.memory_space<hbm>> -> memref<1x4096xf32, #tpu.memory_space<hbm>>
      %dma_start3A_61 = tpu.memref_squeeze %dma_start3A_60 : memref<1x4096xf32, #tpu.memory_space<hbm>> -> memref<4096xf32, #tpu.memory_space<hbm>>
      tpu.enqueue_dma source(%dma_start3A_61 : memref<4096xf32, #tpu.memory_space<hbm>>) target(%arg10 : memref<4096xf32, #tpu.memory_space<vmem>>) target_semaphore(%run_scoped3A : memref<!tpu.dma_semaphore, #tpu.memory_space<semaphore_mem>>)
      %dma_wait3A = arith.constant 0 : i32
      %dma_wait3A_62 = tpu.memref_slice %arg5[%add3A, %dma_wait3A] : memref<4x4096xf32, #tpu.memory_space<hbm>> -> memref<1x4096xf32, #tpu.memory_space<hbm>>
      %dma_wait3A_63 = tpu.memref_squeeze %dma_wait3A_62 : memref<1x4096xf32, #tpu.memory_space<hbm>> -> memref<4096xf32, #tpu.memory_space<hbm>>
      %dma_wait3A_64 = arith.constant 0 : i32
      %dma_wait3A_65 = tpu.memref_slice %arg5[%add3A, %dma_wait3A_64] : memref<4x4096xf32, #tpu.memory_space<hbm>> -> memref<1x4096xf32, #tpu.memory_space<hbm>>
      %dma_wait3A_66 = tpu.memref_squeeze %dma_wait3A_65 : memref<1x4096xf32, #tpu.memory_space<hbm>> -> memref<4096xf32, #tpu.memory_space<hbm>>
      tpu.wait_dma2 semaphore(%run_scoped3A : memref<!tpu.dma_semaphore, #tpu.memory_space<semaphore_mem>>) src(%dma_wait3A_66 : memref<4096xf32, #tpu.memory_space<hbm>>) dst(%arg10 : memref<4096xf32, #tpu.memory_space<vmem>>)
      tpu.yield
    }) : () -> ()
    "tpu.region"() ({
      %run_scoped3A = tpu.sem_alloc : memref<!tpu.dma_semaphore, #tpu.memory_space<semaphore_mem>>
      %dma_start3A = arith.constant 0 : i32
      %dma_start3A_57 = tpu.memref_slice %arg6[%add3A, %dma_start3A] : memref<4x4096xf32, #tpu.memory_space<hbm>> -> memref<1x4096xf32, #tpu.memory_space<hbm>>
      %dma_start3A_58 = tpu.memref_squeeze %dma_start3A_57 : memref<1x4096xf32, #tpu.memory_space<hbm>> -> memref<4096xf32, #tpu.memory_space<hbm>>
      %dma_start3A_59 = arith.constant 0 : i32
      %dma_start3A_60 = tpu.memref_slice %arg6[%add3A, %dma_start3A_59] : memref<4x4096xf32, #tpu.memory_space<hbm>> -> memref<1x4096xf32, #tpu.memory_space<hbm>>
      %dma_start3A_61 = tpu.memref_squeeze %dma_start3A_60 : memref<1x4096xf32, #tpu.memory_space<hbm>> -> memref<4096xf32, #tpu.memory_space<hbm>>
      tpu.enqueue_dma source(%dma_start3A_61 : memref<4096xf32, #tpu.memory_space<hbm>>) target(%arg11 : memref<4096xf32, #tpu.memory_space<vmem>>) target_semaphore(%run_scoped3A : memref<!tpu.dma_semaphore, #tpu.memory_space<semaphore_mem>>)
      %dma_wait3A = arith.constant 0 : i32
      %dma_wait3A_62 = tpu.memref_slice %arg6[%add3A, %dma_wait3A] : memref<4x4096xf32, #tpu.memory_space<hbm>> -> memref<1x4096xf32, #tpu.memory_space<hbm>>
      %dma_wait3A_63 = tpu.memref_squeeze %dma_wait3A_62 : memref<1x4096xf32, #tpu.memory_space<hbm>> -> memref<4096xf32, #tpu.memory_space<hbm>>
      %dma_wait3A_64 = arith.constant 0 : i32
      %dma_wait3A_65 = tpu.memref_slice %arg6[%add3A, %dma_wait3A_64] : memref<4x4096xf32, #tpu.memory_space<hbm>> -> memref<1x4096xf32, #tpu.memory_space<hbm>>
      %dma_wait3A_66 = tpu.memref_squeeze %dma_wait3A_65 : memref<1x4096xf32, #tpu.memory_space<hbm>> -> memref<4096xf32, #tpu.memory_space<hbm>>
      tpu.wait_dma2 semaphore(%run_scoped3A : memref<!tpu.dma_semaphore, #tpu.memory_space<semaphore_mem>>) src(%dma_wait3A_66 : memref<4096xf32, #tpu.memory_space<hbm>>) dst(%arg11 : memref<4096xf32, #tpu.memory_space<vmem>>)
      tpu.yield
    }) : () -> ()
    "tpu.region"() ({
      %run_scoped3A = tpu.sem_alloc : memref<!tpu.dma_semaphore, #tpu.memory_space<semaphore_mem>>
      %dma_start3A = arith.constant 0 : i32
      %dma_start3A_57 = tpu.memref_slice %arg7[%add3A, %dma_start3A] : memref<4x4096xf32, #tpu.memory_space<hbm>> -> memref<1x4096xf32, #tpu.memory_space<hbm>>
      %dma_start3A_58 = tpu.memref_squeeze %dma_start3A_57 : memref<1x4096xf32, #tpu.memory_space<hbm>> -> memref<4096xf32, #tpu.memory_space<hbm>>
      %dma_start3A_59 = arith.constant 0 : i32
      %dma_start3A_60 = tpu.memref_slice %arg7[%add3A, %dma_start3A_59] : memref<4x4096xf32, #tpu.memory_space<hbm>> -> memref<1x4096xf32, #tpu.memory_space<hbm>>
      %dma_start3A_61 = tpu.memref_squeeze %dma_start3A_60 : memref<1x4096xf32, #tpu.memory_space<hbm>> -> memref<4096xf32, #tpu.memory_space<hbm>>
      tpu.enqueue_dma source(%dma_start3A_61 : memref<4096xf32, #tpu.memory_space<hbm>>) target(%arg12 : memref<4096xf32, #tpu.memory_space<vmem>>) target_semaphore(%run_scoped3A : memref<!tpu.dma_semaphore, #tpu.memory_space<semaphore_mem>>)
      %dma_wait3A = arith.constant 0 : i32
      %dma_wait3A_62 = tpu.memref_slice %arg7[%add3A, %dma_wait3A] : memref<4x4096xf32, #tpu.memory_space<hbm>> -> memref<1x4096xf32, #tpu.memory_space<hbm>>
      %dma_wait3A_63 = tpu.memref_squeeze %dma_wait3A_62 : memref<1x4096xf32, #tpu.memory_space<hbm>> -> memref<4096xf32, #tpu.memory_space<hbm>>
      %dma_wait3A_64 = arith.constant 0 : i32
      %dma_wait3A_65 = tpu.memref_slice %arg7[%add3A, %dma_wait3A_64] : memref<4x4096xf32, #tpu.memory_space<hbm>> -> memref<1x4096xf32, #tpu.memory_space<hbm>>
      %dma_wait3A_66 = tpu.memref_squeeze %dma_wait3A_65 : memref<1x4096xf32, #tpu.memory_space<hbm>> -> memref<4096xf32, #tpu.memory_space<hbm>>
      tpu.wait_dma2 semaphore(%run_scoped3A : memref<!tpu.dma_semaphore, #tpu.memory_space<semaphore_mem>>) src(%dma_wait3A_66 : memref<4096xf32, #tpu.memory_space<hbm>>) dst(%arg12 : memref<4096xf32, #tpu.memory_space<vmem>>)
      tpu.yield
    }) : () -> ()
    "tpu.region"() ({
      %run_scoped3A = tpu.sem_alloc : memref<!tpu.dma_semaphore, #tpu.memory_space<semaphore_mem>>
      %dma_start3A = tpu.memref_slice %arg2[%add3A, %mul3A_32] : memref<4x4096xf32, #tpu.memory_space<hbm>> -> memref<1x512xf32, #tpu.memory_space<hbm>>
      %dma_start3A_57 = tpu.memref_squeeze %dma_start3A : memref<1x512xf32, #tpu.memory_space<hbm>> -> memref<512xf32, #tpu.memory_space<hbm>>
      %dma_start3A_58 = tpu.memref_slice %arg2[%add3A, %mul3A_32] : memref<4x4096xf32, #tpu.memory_space<hbm>> -> memref<1x512xf32, #tpu.memory_space<hbm>>
      %dma_start3A_59 = tpu.memref_squeeze %dma_start3A_58 : memref<1x512xf32, #tpu.memory_space<hbm>> -> memref<512xf32, #tpu.memory_space<hbm>>
      tpu.enqueue_dma source(%dma_start3A_59 : memref<512xf32, #tpu.memory_space<hbm>>) target(%arg14 : memref<512xf32, #tpu.memory_space<vmem>>) target_semaphore(%run_scoped3A : memref<!tpu.dma_semaphore, #tpu.memory_space<semaphore_mem>>)
      %dma_wait3A = tpu.memref_slice %arg2[%add3A, %mul3A_32] : memref<4x4096xf32, #tpu.memory_space<hbm>> -> memref<1x512xf32, #tpu.memory_space<hbm>>
      %dma_wait3A_60 = tpu.memref_squeeze %dma_wait3A : memref<1x512xf32, #tpu.memory_space<hbm>> -> memref<512xf32, #tpu.memory_space<hbm>>
      %dma_wait3A_61 = tpu.memref_slice %arg2[%add3A, %mul3A_32] : memref<4x4096xf32, #tpu.memory_space<hbm>> -> memref<1x512xf32, #tpu.memory_space<hbm>>
      %dma_wait3A_62 = tpu.memref_squeeze %dma_wait3A_61 : memref<1x512xf32, #tpu.memory_space<hbm>> -> memref<512xf32, #tpu.memory_space<hbm>>
      tpu.wait_dma2 semaphore(%run_scoped3A : memref<!tpu.dma_semaphore, #tpu.memory_space<semaphore_mem>>) src(%dma_wait3A_62 : memref<512xf32, #tpu.memory_space<hbm>>) dst(%arg14 : memref<512xf32, #tpu.memory_space<vmem>>)
      tpu.yield
    }) : () -> ()
    "tpu.region"() ({
      %run_scoped3A = tpu.sem_alloc : memref<!tpu.dma_semaphore, #tpu.memory_space<semaphore_mem>>
      %dma_start3A = tpu.memref_slice %arg3[%add3A, %mul3A_32] : memref<4x4096xf32, #tpu.memory_space<hbm>> -> memref<1x512xf32, #tpu.memory_space<hbm>>
      %dma_start3A_57 = tpu.memref_squeeze %dma_start3A : memref<1x512xf32, #tpu.memory_space<hbm>> -> memref<512xf32, #tpu.memory_space<hbm>>
      %dma_start3A_58 = tpu.memref_slice %arg3[%add3A, %mul3A_32] : memref<4x4096xf32, #tpu.memory_space<hbm>> -> memref<1x512xf32, #tpu.memory_space<hbm>>
      %dma_start3A_59 = tpu.memref_squeeze %dma_start3A_58 : memref<1x512xf32, #tpu.memory_space<hbm>> -> memref<512xf32, #tpu.memory_space<hbm>>
      tpu.enqueue_dma source(%dma_start3A_59 : memref<512xf32, #tpu.memory_space<hbm>>) target(%arg15 : memref<512xf32, #tpu.memory_space<vmem>>) target_semaphore(%run_scoped3A : memref<!tpu.dma_semaphore, #tpu.memory_space<semaphore_mem>>)
      %dma_wait3A = tpu.memref_slice %arg3[%add3A, %mul3A_32] : memref<4x4096xf32, #tpu.memory_space<hbm>> -> memref<1x512xf32, #tpu.memory_space<hbm>>
      %dma_wait3A_60 = tpu.memref_squeeze %dma_wait3A : memref<1x512xf32, #tpu.memory_space<hbm>> -> memref<512xf32, #tpu.memory_space<hbm>>
      %dma_wait3A_61 = tpu.memref_slice %arg3[%add3A, %mul3A_32] : memref<4x4096xf32, #tpu.memory_space<hbm>> -> memref<1x512xf32, #tpu.memory_space<hbm>>
      %dma_wait3A_62 = tpu.memref_squeeze %dma_wait3A_61 : memref<1x512xf32, #tpu.memory_space<hbm>> -> memref<512xf32, #tpu.memory_space<hbm>>
      tpu.wait_dma2 semaphore(%run_scoped3A : memref<!tpu.dma_semaphore, #tpu.memory_space<semaphore_mem>>) src(%dma_wait3A_62 : memref<512xf32, #tpu.memory_space<hbm>>) dst(%arg15 : memref<512xf32, #tpu.memory_space<vmem>>)
      tpu.yield
    }) : () -> ()
    "tpu.region"() ({
      %run_scoped3A = tpu.sem_alloc : memref<!tpu.dma_semaphore, #tpu.memory_space<semaphore_mem>>
      %dma_start3A = tpu.memref_slice %arg4[%add3A, %mul3A_32] : memref<4x4096xf32, #tpu.memory_space<hbm>> -> memref<1x512xf32, #tpu.memory_space<hbm>>
      %dma_start3A_57 = tpu.memref_squeeze %dma_start3A : memref<1x512xf32, #tpu.memory_space<hbm>> -> memref<512xf32, #tpu.memory_space<hbm>>
      %dma_start3A_58 = tpu.memref_slice %arg4[%add3A, %mul3A_32] : memref<4x4096xf32, #tpu.memory_space<hbm>> -> memref<1x512xf32, #tpu.memory_space<hbm>>
      %dma_start3A_59 = tpu.memref_squeeze %dma_start3A_58 : memref<1x512xf32, #tpu.memory_space<hbm>> -> memref<512xf32, #tpu.memory_space<hbm>>
      tpu.enqueue_dma source(%dma_start3A_59 : memref<512xf32, #tpu.memory_space<hbm>>) target(%arg16 : memref<512xf32, #tpu.memory_space<vmem>>) target_semaphore(%run_scoped3A : memref<!tpu.dma_semaphore, #tpu.memory_space<semaphore_mem>>)
      %dma_wait3A = tpu.memref_slice %arg4[%add3A, %mul3A_32] : memref<4x4096xf32, #tpu.memory_space<hbm>> -> memref<1x512xf32, #tpu.memory_space<hbm>>
      %dma_wait3A_60 = tpu.memref_squeeze %dma_wait3A : memref<1x512xf32, #tpu.memory_space<hbm>> -> memref<512xf32, #tpu.memory_space<hbm>>
      %dma_wait3A_61 = tpu.memref_slice %arg4[%add3A, %mul3A_32] : memref<4x4096xf32, #tpu.memory_space<hbm>> -> memref<1x512xf32, #tpu.memory_space<hbm>>
      %dma_wait3A_62 = tpu.memref_squeeze %dma_wait3A_61 : memref<1x512xf32, #tpu.memory_space<hbm>> -> memref<512xf32, #tpu.memory_space<hbm>>
      tpu.wait_dma2 semaphore(%run_scoped3A : memref<!tpu.dma_semaphore, #tpu.memory_space<semaphore_mem>>) src(%dma_wait3A_62 : memref<512xf32, #tpu.memory_space<hbm>>) dst(%arg16 : memref<512xf32, #tpu.memory_space<vmem>>)
      tpu.yield
    }) : () -> ()
    %scan3A = arith.constant 0 : i32
    %scan3A_33 = arith.constant 0 : i32
    %scan3A_34 = arith.constant 256 : i32
    %scan3A_35 = arith.addi %scan3A_33, %scan3A_34 : i32
    %scan3A_36 = arith.constant 4 : i32
    scf.for %scan3A_57 = %scan3A_33 to %scan3A_35 step %scan3A_36  : i32 {
      %mul3A_58 = arith.constant 16 : i32
      %mul3A_59 = arith.muli %scan3A_57, %mul3A_58 : i32
      %multiple_of3A = tpu.assume_multiple %mul3A_59, 16 : i32
      %get3A = arith.index_cast %multiple_of3A : i32 to index
      %get3A_60 = tpu.vector_load %arg10[%get3A] {strides = array<i32>} : memref<4096xf32, #tpu.memory_space<vmem>>, vector<16xf32>,
      %get3A_61 = arith.index_cast %multiple_of3A : i32 to index
      %get3A_62 = tpu.vector_load %arg11[%get3A_61] {strides = array<i32>} : memref<4096xf32, #tpu.memory_space<vmem>>, vector<16xf32>,
      %get3A_63 = arith.index_cast %multiple_of3A : i32 to index
      %get3A_64 = tpu.vector_load %arg12[%get3A_63] {strides = array<i32>} : memref<4096xf32, #tpu.memory_space<vmem>>, vector<16xf32>,
      %mul3A_65 = arith.mulf %get3A_60, %get3A_60 : vector<16xf32>
      %mul3A_66 = arith.mulf %get3A_62, %get3A_62 : vector<16xf32>
      %add3A_67 = arith.addf %mul3A_65, %mul3A_66 : vector<16xf32>
      %mul3A_68 = arith.mulf %get3A_64, %get3A_64 : vector<16xf32>
      %add3A_69 = arith.addf %add3A_67, %mul3A_68 : vector<16xf32>
      %swap3A_70 = arith.index_cast %multiple_of3A : i32 to index
      %swap3A_71 = tpu.vector_load %arg13[%swap3A_70] {strides = array<i32>} : memref<4096xf32, #tpu.memory_space<vmem>>, vector<16xf32>,
      tpu.vector_store %arg13[%swap3A_70], %add3A_69 {strides = array<i32>} : memref<4096xf32, #tpu.memory_space<vmem>>, vector<16xf32>,
      %bitcast_convert_type3A = tpu.bitcast %get3A_60 : vector<16xf32> -> vector<16xi32>
      %add3A_72 = arith.constant 32767 : i32
      %add3A_73 = vector.broadcast %add3A_72 : i32 to vector<16xi32>
      %add3A_74 = arith.addi %bitcast_convert_type3A, %add3A_73 : vector<16xi32>
      %shift_right_logical3A = arith.constant 16 : i32
      %shift_right_logical3A_75 = vector.broadcast %shift_right_logical3A : i32 to vector<16xi32>
      %shift_right_logical3A_76 = arith.shrui %bitcast_convert_type3A, %shift_right_logical3A_75 : vector<16xi32>
      %and3A_77 = arith.constant 1 : i32
      %and3A_78 = vector.broadcast %and3A_77 : i32 to vector<16xi32>
      %and3A_79 = arith.andi %shift_right_logical3A_76, %and3A_78 : vector<16xi32>
      %add3A_80 = arith.addi %add3A_74, %and3A_79 : vector<16xi32>
      %and3A_81 = arith.constant -65536 : i32
      %and3A_82 = vector.broadcast %and3A_81 : i32 to vector<16xi32>
      %and3A_83 = arith.andi %add3A_80, %and3A_82 : vector<16xi32>
      %bitcast_convert_type3A_84 = tpu.bitcast %and3A_83 : vector<16xi32> -> vector<16xf32>
      %swap3A_85 = arith.index_cast %multiple_of3A : i32 to index
      %swap3A_86 = tpu.vector_load %arg10[%swap3A_85] {strides = array<i32>} : memref<4096xf32, #tpu.memory_space<vmem>>, vector<16xf32>,
      tpu.vector_store %arg10[%swap3A_85], %bitcast_convert_type3A_84 {strides = array<i32>} : memref<4096xf32, #tpu.memory_space<vmem>>, vector<16xf32>,
      %bitcast_convert_type3A_87 = tpu.bitcast %get3A_62 : vector<16xf32> -> vector<16xi32>
      %add3A_88 = arith.constant 32767 : i32
      %add3A_89 = vector.broadcast %add3A_88 : i32 to vector<16xi32>
      %add3A_90 = arith.addi %bitcast_convert_type3A_87, %add3A_89 : vector<16xi32>
      %shift_right_logical3A_91 = arith.constant 16 : i32
      %shift_right_logical3A_92 = vector.broadcast %shift_right_logical3A_91 : i32 to vector<16xi32>
      %shift_right_logical3A_93 = arith.shrui %bitcast_convert_type3A_87, %shift_right_logical3A_92 : vector<16xi32>
      %and3A_94 = arith.constant 1 : i32
      %and3A_95 = vector.broadcast %and3A_94 : i32 to vector<16xi32>
      %and3A_96 = arith.andi %shift_right_logical3A_93, %and3A_95 : vector<16xi32>
      %add3A_97 = arith.addi %add3A_90, %and3A_96 : vector<16xi32>
      %and3A_98 = arith.constant -65536 : i32
      %and3A_99 = vector.broadcast %and3A_98 : i32 to vector<16xi32>
      %and3A_100 = arith.andi %add3A_97, %and3A_99 : vector<16xi32>
      %bitcast_convert_type3A_101 = tpu.bitcast %and3A_100 : vector<16xi32> -> vector<16xf32>
      %swap3A_102 = arith.index_cast %multiple_of3A : i32 to index
      %swap3A_103 = tpu.vector_load %arg11[%swap3A_102] {strides = array<i32>} : memref<4096xf32, #tpu.memory_space<vmem>>, vector<16xf32>,
      tpu.vector_store %arg11[%swap3A_102], %bitcast_convert_type3A_101 {strides = array<i32>} : memref<4096xf32, #tpu.memory_space<vmem>>, vector<16xf32>,
      %bitcast_convert_type3A_104 = tpu.bitcast %get3A_64 : vector<16xf32> -> vector<16xi32>
      %add3A_105 = arith.constant 32767 : i32
      %add3A_106 = vector.broadcast %add3A_105 : i32 to vector<16xi32>
      %add3A_107 = arith.addi %bitcast_convert_type3A_104, %add3A_106 : vector<16xi32>
      %shift_right_logical3A_108 = arith.constant 16 : i32
      %shift_right_logical3A_109 = vector.broadcast %shift_right_logical3A_108 : i32 to vector<16xi32>
      %shift_right_logical3A_110 = arith.shrui %bitcast_convert_type3A_104, %shift_right_logical3A_109 : vector<16xi32>
      %and3A_111 = arith.constant 1 : i32
      %and3A_112 = vector.broadcast %and3A_111 : i32 to vector<16xi32>
      %and3A_113 = arith.andi %shift_right_logical3A_110, %and3A_112 : vector<16xi32>
      %add3A_114 = arith.addi %add3A_107, %and3A_113 : vector<16xi32>
      %and3A_115 = arith.constant -65536 : i32
      %and3A_116 = vector.broadcast %and3A_115 : i32 to vector<16xi32>
      %and3A_117 = arith.andi %add3A_114, %and3A_116 : vector<16xi32>
      %bitcast_convert_type3A_118 = tpu.bitcast %and3A_117 : vector<16xi32> -> vector<16xf32>
      %swap3A_119 = arith.index_cast %multiple_of3A : i32 to index
      %swap3A_120 = tpu.vector_load %arg12[%swap3A_119] {strides = array<i32>} : memref<4096xf32, #tpu.memory_space<vmem>>, vector<16xf32>,
      tpu.vector_store %arg12[%swap3A_119], %bitcast_convert_type3A_118 {strides = array<i32>} : memref<4096xf32, #tpu.memory_space<vmem>>, vector<16xf32>,
      %scan3A_121 = arith.constant 1 : i32
      %scan3A_122 = arith.addi %scan3A_57, %scan3A_121 : i32
      %mul3A_123 = arith.constant 16 : i32
      %mul3A_124 = arith.muli %scan3A_122, %mul3A_123 : i32
      %multiple_of3A_125 = tpu.assume_multiple %mul3A_124, 16 : i32
      %get3A_126 = arith.index_cast %multiple_of3A_125 : i32 to index
      %get3A_127 = tpu.vector_load %arg10[%get3A_126] {strides = array<i32>} : memref<4096xf32, #tpu.memory_space<vmem>>, vector<16xf32>,
      %get3A_128 = arith.index_cast %multiple_of3A_125 : i32 to index
      %get3A_129 = tpu.vector_load %arg11[%get3A_128] {strides = array<i32>} : memref<4096xf32, #tpu.memory_space<vmem>>, vector<16xf32>,
      %get3A_130 = arith.index_cast %multiple_of3A_125 : i32 to index
      %get3A_131 = tpu.vector_load %arg12[%get3A_130] {strides = array<i32>} : memref<4096xf32, #tpu.memory_space<vmem>>, vector<16xf32>,
      %mul3A_132 = arith.mulf %get3A_127, %get3A_127 : vector<16xf32>
      %mul3A_133 = arith.mulf %get3A_129, %get3A_129 : vector<16xf32>
      %add3A_134 = arith.addf %mul3A_132, %mul3A_133 : vector<16xf32>
      %mul3A_135 = arith.mulf %get3A_131, %get3A_131 : vector<16xf32>
      %add3A_136 = arith.addf %add3A_134, %mul3A_135 : vector<16xf32>
      %swap3A_137 = arith.index_cast %multiple_of3A_125 : i32 to index
      %swap3A_138 = tpu.vector_load %arg13[%swap3A_137] {strides = array<i32>} : memref<4096xf32, #tpu.memory_space<vmem>>, vector<16xf32>,
      tpu.vector_store %arg13[%swap3A_137], %add3A_136 {strides = array<i32>} : memref<4096xf32, #tpu.memory_space<vmem>>, vector<16xf32>,
      %bitcast_convert_type3A_139 = tpu.bitcast %get3A_127 : vector<16xf32> -> vector<16xi32>
      %add3A_140 = arith.constant 32767 : i32
      %add3A_141 = vector.broadcast %add3A_140 : i32 to vector<16xi32>
      %add3A_142 = arith.addi %bitcast_convert_type3A_139, %add3A_141 : vector<16xi32>
      %shift_right_logical3A_143 = arith.constant 16 : i32
      %shift_right_logical3A_144 = vector.broadcast %shift_right_logical3A_143 : i32 to vector<16xi32>
      %shift_right_logical3A_145 = arith.shrui %bitcast_convert_type3A_139, %shift_right_logical3A_144 : vector<16xi32>
      %and3A_146 = arith.constant 1 : i32
      %and3A_147 = vector.broadcast %and3A_146 : i32 to vector<16xi32>
      %and3A_148 = arith.andi %shift_right_logical3A_145, %and3A_147 : vector<16xi32>
      %add3A_149 = arith.addi %add3A_142, %and3A_148 : vector<16xi32>
      %and3A_150 = arith.constant -65536 : i32
      %and3A_151 = vector.broadcast %and3A_150 : i32 to vector<16xi32>
      %and3A_152 = arith.andi %add3A_149, %and3A_151 : vector<16xi32>
      %bitcast_convert_type3A_153 = tpu.bitcast %and3A_152 : vector<16xi32> -> vector<16xf32>
      %swap3A_154 = arith.index_cast %multiple_of3A_125 : i32 to index
      %swap3A_155 = tpu.vector_load %arg10[%swap3A_154] {strides = array<i32>} : memref<4096xf32, #tpu.memory_space<vmem>>, vector<16xf32>,
      tpu.vector_store %arg10[%swap3A_154], %bitcast_convert_type3A_153 {strides = array<i32>} : memref<4096xf32, #tpu.memory_space<vmem>>, vector<16xf32>,
      %bitcast_convert_type3A_156 = tpu.bitcast %get3A_129 : vector<16xf32> -> vector<16xi32>
      %add3A_157 = arith.constant 32767 : i32
      %add3A_158 = vector.broadcast %add3A_157 : i32 to vector<16xi32>
      %add3A_159 = arith.addi %bitcast_convert_type3A_156, %add3A_158 : vector<16xi32>
      %shift_right_logical3A_160 = arith.constant 16 : i32
      %shift_right_logical3A_161 = vector.broadcast %shift_right_logical3A_160 : i32 to vector<16xi32>
      %shift_right_logical3A_162 = arith.shrui %bitcast_convert_type3A_156, %shift_right_logical3A_161 : vector<16xi32>
      %and3A_163 = arith.constant 1 : i32
      %and3A_164 = vector.broadcast %and3A_163 : i32 to vector<16xi32>
      %and3A_165 = arith.andi %shift_right_logical3A_162, %and3A_164 : vector<16xi32>
      %add3A_166 = arith.addi %add3A_159, %and3A_165 : vector<16xi32>
      %and3A_167 = arith.constant -65536 : i32
      %and3A_168 = vector.broadcast %and3A_167 : i32 to vector<16xi32>
      %and3A_169 = arith.andi %add3A_166, %and3A_168 : vector<16xi32>
      %bitcast_convert_type3A_170 = tpu.bitcast %and3A_169 : vector<16xi32> -> vector<16xf32>
      %swap3A_171 = arith.index_cast %multiple_of3A_125 : i32 to index
      %swap3A_172 = tpu.vector_load %arg11[%swap3A_171] {strides = array<i32>} : memref<4096xf32, #tpu.memory_space<vmem>>, vector<16xf32>,
      tpu.vector_store %arg11[%swap3A_171], %bitcast_convert_type3A_170 {strides = array<i32>} : memref<4096xf32, #tpu.memory_space<vmem>>, vector<16xf32>,
      %bitcast_convert_type3A_173 = tpu.bitcast %get3A_131 : vector<16xf32> -> vector<16xi32>
      %add3A_174 = arith.constant 32767 : i32
      %add3A_175 = vector.broadcast %add3A_174 : i32 to vector<16xi32>
      %add3A_176 = arith.addi %bitcast_convert_type3A_173, %add3A_175 : vector<16xi32>
      %shift_right_logical3A_177 = arith.constant 16 : i32
      %shift_right_logical3A_178 = vector.broadcast %shift_right_logical3A_177 : i32 to vector<16xi32>
      %shift_right_logical3A_179 = arith.shrui %bitcast_convert_type3A_173, %shift_right_logical3A_178 : vector<16xi32>
      %and3A_180 = arith.constant 1 : i32
      %and3A_181 = vector.broadcast %and3A_180 : i32 to vector<16xi32>
      %and3A_182 = arith.andi %shift_right_logical3A_179, %and3A_181 : vector<16xi32>
      %add3A_183 = arith.addi %add3A_176, %and3A_182 : vector<16xi32>
      %and3A_184 = arith.constant -65536 : i32
      %and3A_185 = vector.broadcast %and3A_184 : i32 to vector<16xi32>
      %and3A_186 = arith.andi %add3A_183, %and3A_185 : vector<16xi32>
      %bitcast_convert_type3A_187 = tpu.bitcast %and3A_186 : vector<16xi32> -> vector<16xf32>
      %swap3A_188 = arith.index_cast %multiple_of3A_125 : i32 to index
      %swap3A_189 = tpu.vector_load %arg12[%swap3A_188] {strides = array<i32>} : memref<4096xf32, #tpu.memory_space<vmem>>, vector<16xf32>,
      tpu.vector_store %arg12[%swap3A_188], %bitcast_convert_type3A_187 {strides = array<i32>} : memref<4096xf32, #tpu.memory_space<vmem>>, vector<16xf32>,
      %scan3A_190 = arith.constant 2 : i32
      %scan3A_191 = arith.addi %scan3A_57, %scan3A_190 : i32
      %mul3A_192 = arith.constant 16 : i32
      %mul3A_193 = arith.muli %scan3A_191, %mul3A_192 : i32
      %multiple_of3A_194 = tpu.assume_multiple %mul3A_193, 16 : i32
      %get3A_195 = arith.index_cast %multiple_of3A_194 : i32 to index
      %get3A_196 = tpu.vector_load %arg10[%get3A_195] {strides = array<i32>} : memref<4096xf32, #tpu.memory_space<vmem>>, vector<16xf32>,
      %get3A_197 = arith.index_cast %multiple_of3A_194 : i32 to index
      %get3A_198 = tpu.vector_load %arg11[%get3A_197] {strides = array<i32>} : memref<4096xf32, #tpu.memory_space<vmem>>, vector<16xf32>,
      %get3A_199 = arith.index_cast %multiple_of3A_194 : i32 to index
      %get3A_200 = tpu.vector_load %arg12[%get3A_199] {strides = array<i32>} : memref<4096xf32, #tpu.memory_space<vmem>>, vector<16xf32>,
      %mul3A_201 = arith.mulf %get3A_196, %get3A_196 : vector<16xf32>
      %mul3A_202 = arith.mulf %get3A_198, %get3A_198 : vector<16xf32>
      %add3A_203 = arith.addf %mul3A_201, %mul3A_202 : vector<16xf32>
      %mul3A_204 = arith.mulf %get3A_200, %get3A_200 : vector<16xf32>
      %add3A_205 = arith.addf %add3A_203, %mul3A_204 : vector<16xf32>
      %swap3A_206 = arith.index_cast %multiple_of3A_194 : i32 to index
      %swap3A_207 = tpu.vector_load %arg13[%swap3A_206] {strides = array<i32>} : memref<4096xf32, #tpu.memory_space<vmem>>, vector<16xf32>,
      tpu.vector_store %arg13[%swap3A_206], %add3A_205 {strides = array<i32>} : memref<4096xf32, #tpu.memory_space<vmem>>, vector<16xf32>,
      %bitcast_convert_type3A_208 = tpu.bitcast %get3A_196 : vector<16xf32> -> vector<16xi32>
      %add3A_209 = arith.constant 32767 : i32
      %add3A_210 = vector.broadcast %add3A_209 : i32 to vector<16xi32>
      %add3A_211 = arith.addi %bitcast_convert_type3A_208, %add3A_210 : vector<16xi32>
      %shift_right_logical3A_212 = arith.constant 16 : i32
      %shift_right_logical3A_213 = vector.broadcast %shift_right_logical3A_212 : i32 to vector<16xi32>
      %shift_right_logical3A_214 = arith.shrui %bitcast_convert_type3A_208, %shift_right_logical3A_213 : vector<16xi32>
      %and3A_215 = arith.constant 1 : i32
      %and3A_216 = vector.broadcast %and3A_215 : i32 to vector<16xi32>
      %and3A_217 = arith.andi %shift_right_logical3A_214, %and3A_216 : vector<16xi32>
      %add3A_218 = arith.addi %add3A_211, %and3A_217 : vector<16xi32>
      %and3A_219 = arith.constant -65536 : i32
      %and3A_220 = vector.broadcast %and3A_219 : i32 to vector<16xi32>
      %and3A_221 = arith.andi %add3A_218, %and3A_220 : vector<16xi32>
      %bitcast_convert_type3A_222 = tpu.bitcast %and3A_221 : vector<16xi32> -> vector<16xf32>
      %swap3A_223 = arith.index_cast %multiple_of3A_194 : i32 to index
      %swap3A_224 = tpu.vector_load %arg10[%swap3A_223] {strides = array<i32>} : memref<4096xf32, #tpu.memory_space<vmem>>, vector<16xf32>,
      tpu.vector_store %arg10[%swap3A_223], %bitcast_convert_type3A_222 {strides = array<i32>} : memref<4096xf32, #tpu.memory_space<vmem>>, vector<16xf32>,
      %bitcast_convert_type3A_225 = tpu.bitcast %get3A_198 : vector<16xf32> -> vector<16xi32>
      %add3A_226 = arith.constant 32767 : i32
      %add3A_227 = vector.broadcast %add3A_226 : i32 to vector<16xi32>
      %add3A_228 = arith.addi %bitcast_convert_type3A_225, %add3A_227 : vector<16xi32>
      %shift_right_logical3A_229 = arith.constant 16 : i32
      %shift_right_logical3A_230 = vector.broadcast %shift_right_logical3A_229 : i32 to vector<16xi32>
      %shift_right_logical3A_231 = arith.shrui %bitcast_convert_type3A_225, %shift_right_logical3A_230 : vector<16xi32>
      %and3A_232 = arith.constant 1 : i32
      %and3A_233 = vector.broadcast %and3A_232 : i32 to vector<16xi32>
      %and3A_234 = arith.andi %shift_right_logical3A_231, %and3A_233 : vector<16xi32>
      %add3A_235 = arith.addi %add3A_228, %and3A_234 : vector<16xi32>
      %and3A_236 = arith.constant -65536 : i32
      %and3A_237 = vector.broadcast %and3A_236 : i32 to vector<16xi32>
      %and3A_238 = arith.andi %add3A_235, %and3A_237 : vector<16xi32>
      %bitcast_convert_type3A_239 = tpu.bitcast %and3A_238 : vector<16xi32> -> vector<16xf32>
      %swap3A_240 = arith.index_cast %multiple_of3A_194 : i32 to index
      %swap3A_241 = tpu.vector_load %arg11[%swap3A_240] {strides = array<i32>} : memref<4096xf32, #tpu.memory_space<vmem>>, vector<16xf32>,
      tpu.vector_store %arg11[%swap3A_240], %bitcast_convert_type3A_239 {strides = array<i32>} : memref<4096xf32, #tpu.memory_space<vmem>>, vector<16xf32>,
      %bitcast_convert_type3A_242 = tpu.bitcast %get3A_200 : vector<16xf32> -> vector<16xi32>
      %add3A_243 = arith.constant 32767 : i32
      %add3A_244 = vector.broadcast %add3A_243 : i32 to vector<16xi32>
      %add3A_245 = arith.addi %bitcast_convert_type3A_242, %add3A_244 : vector<16xi32>
      %shift_right_logical3A_246 = arith.constant 16 : i32
      %shift_right_logical3A_247 = vector.broadcast %shift_right_logical3A_246 : i32 to vector<16xi32>
      %shift_right_logical3A_248 = arith.shrui %bitcast_convert_type3A_242, %shift_right_logical3A_247 : vector<16xi32>
      %and3A_249 = arith.constant 1 : i32
      %and3A_250 = vector.broadcast %and3A_249 : i32 to vector<16xi32>
      %and3A_251 = arith.andi %shift_right_logical3A_248, %and3A_250 : vector<16xi32>
      %add3A_252 = arith.addi %add3A_245, %and3A_251 : vector<16xi32>
      %and3A_253 = arith.constant -65536 : i32
      %and3A_254 = vector.broadcast %and3A_253 : i32 to vector<16xi32>
      %and3A_255 = arith.andi %add3A_252, %and3A_254 : vector<16xi32>
      %bitcast_convert_type3A_256 = tpu.bitcast %and3A_255 : vector<16xi32> -> vector<16xf32>
      %swap3A_257 = arith.index_cast %multiple_of3A_194 : i32 to index
      %swap3A_258 = tpu.vector_load %arg12[%swap3A_257] {strides = array<i32>} : memref<4096xf32, #tpu.memory_space<vmem>>, vector<16xf32>,
      tpu.vector_store %arg12[%swap3A_257], %bitcast_convert_type3A_256 {strides = array<i32>} : memref<4096xf32, #tpu.memory_space<vmem>>, vector<16xf32>,
      %scan3A_259 = arith.constant 3 : i32
      %scan3A_260 = arith.addi %scan3A_57, %scan3A_259 : i32
      %mul3A_261 = arith.constant 16 : i32
      %mul3A_262 = arith.muli %scan3A_260, %mul3A_261 : i32
      %multiple_of3A_263 = tpu.assume_multiple %mul3A_262, 16 : i32
      %get3A_264 = arith.index_cast %multiple_of3A_263 : i32 to index
      %get3A_265 = tpu.vector_load %arg10[%get3A_264] {strides = array<i32>} : memref<4096xf32, #tpu.memory_space<vmem>>, vector<16xf32>,
      %get3A_266 = arith.index_cast %multiple_of3A_263 : i32 to index
      %get3A_267 = tpu.vector_load %arg11[%get3A_266] {strides = array<i32>} : memref<4096xf32, #tpu.memory_space<vmem>>, vector<16xf32>,
      %get3A_268 = arith.index_cast %multiple_of3A_263 : i32 to index
      %get3A_269 = tpu.vector_load %arg12[%get3A_268] {strides = array<i32>} : memref<4096xf32, #tpu.memory_space<vmem>>, vector<16xf32>,
      %mul3A_270 = arith.mulf %get3A_265, %get3A_265 : vector<16xf32>
      %mul3A_271 = arith.mulf %get3A_267, %get3A_267 : vector<16xf32>
      %add3A_272 = arith.addf %mul3A_270, %mul3A_271 : vector<16xf32>
      %mul3A_273 = arith.mulf %get3A_269, %get3A_269 : vector<16xf32>
      %add3A_274 = arith.addf %add3A_272, %mul3A_273 : vector<16xf32>
      %swap3A_275 = arith.index_cast %multiple_of3A_263 : i32 to index
      %swap3A_276 = tpu.vector_load %arg13[%swap3A_275] {strides = array<i32>} : memref<4096xf32, #tpu.memory_space<vmem>>, vector<16xf32>,
      tpu.vector_store %arg13[%swap3A_275], %add3A_274 {strides = array<i32>} : memref<4096xf32, #tpu.memory_space<vmem>>, vector<16xf32>,
      %bitcast_convert_type3A_277 = tpu.bitcast %get3A_265 : vector<16xf32> -> vector<16xi32>
      %add3A_278 = arith.constant 32767 : i32
      %add3A_279 = vector.broadcast %add3A_278 : i32 to vector<16xi32>
      %add3A_280 = arith.addi %bitcast_convert_type3A_277, %add3A_279 : vector<16xi32>
      %shift_right_logical3A_281 = arith.constant 16 : i32
      %shift_right_logical3A_282 = vector.broadcast %shift_right_logical3A_281 : i32 to vector<16xi32>
      %shift_right_logical3A_283 = arith.shrui %bitcast_convert_type3A_277, %shift_right_logical3A_282 : vector<16xi32>
      %and3A_284 = arith.constant 1 : i32
      %and3A_285 = vector.broadcast %and3A_284 : i32 to vector<16xi32>
      %and3A_286 = arith.andi %shift_right_logical3A_283, %and3A_285 : vector<16xi32>
      %add3A_287 = arith.addi %add3A_280, %and3A_286 : vector<16xi32>
      %and3A_288 = arith.constant -65536 : i32
      %and3A_289 = vector.broadcast %and3A_288 : i32 to vector<16xi32>
      %and3A_290 = arith.andi %add3A_287, %and3A_289 : vector<16xi32>
      %bitcast_convert_type3A_291 = tpu.bitcast %and3A_290 : vector<16xi32> -> vector<16xf32>
      %swap3A_292 = arith.index_cast %multiple_of3A_263 : i32 to index
      %swap3A_293 = tpu.vector_load %arg10[%swap3A_292] {strides = array<i32>} : memref<4096xf32, #tpu.memory_space<vmem>>, vector<16xf32>,
      tpu.vector_store %arg10[%swap3A_292], %bitcast_convert_type3A_291 {strides = array<i32>} : memref<4096xf32, #tpu.memory_space<vmem>>, vector<16xf32>,
      %bitcast_convert_type3A_294 = tpu.bitcast %get3A_267 : vector<16xf32> -> vector<16xi32>
      %add3A_295 = arith.constant 32767 : i32
      %add3A_296 = vector.broadcast %add3A_295 : i32 to vector<16xi32>
      %add3A_297 = arith.addi %bitcast_convert_type3A_294, %add3A_296 : vector<16xi32>
      %shift_right_logical3A_298 = arith.constant 16 : i32
      %shift_right_logical3A_299 = vector.broadcast %shift_right_logical3A_298 : i32 to vector<16xi32>
      %shift_right_logical3A_300 = arith.shrui %bitcast_convert_type3A_294, %shift_right_logical3A_299 : vector<16xi32>
      %and3A_301 = arith.constant 1 : i32
      %and3A_302 = vector.broadcast %and3A_301 : i32 to vector<16xi32>
      %and3A_303 = arith.andi %shift_right_logical3A_300, %and3A_302 : vector<16xi32>
      %add3A_304 = arith.addi %add3A_297, %and3A_303 : vector<16xi32>
      %and3A_305 = arith.constant -65536 : i32
      %and3A_306 = vector.broadcast %and3A_305 : i32 to vector<16xi32>
      %and3A_307 = arith.andi %add3A_304, %and3A_306 : vector<16xi32>
      %bitcast_convert_type3A_308 = tpu.bitcast %and3A_307 : vector<16xi32> -> vector<16xf32>
      %swap3A_309 = arith.index_cast %multiple_of3A_263 : i32 to index
      %swap3A_310 = tpu.vector_load %arg11[%swap3A_309] {strides = array<i32>} : memref<4096xf32, #tpu.memory_space<vmem>>, vector<16xf32>,
      tpu.vector_store %arg11[%swap3A_309], %bitcast_convert_type3A_308 {strides = array<i32>} : memref<4096xf32, #tpu.memory_space<vmem>>, vector<16xf32>,
      %bitcast_convert_type3A_311 = tpu.bitcast %get3A_269 : vector<16xf32> -> vector<16xi32>
      %add3A_312 = arith.constant 32767 : i32
      %add3A_313 = vector.broadcast %add3A_312 : i32 to vector<16xi32>
      %add3A_314 = arith.addi %bitcast_convert_type3A_311, %add3A_313 : vector<16xi32>
      %shift_right_logical3A_315 = arith.constant 16 : i32
      %shift_right_logical3A_316 = vector.broadcast %shift_right_logical3A_315 : i32 to vector<16xi32>
      %shift_right_logical3A_317 = arith.shrui %bitcast_convert_type3A_311, %shift_right_logical3A_316 : vector<16xi32>
      %and3A_318 = arith.constant 1 : i32
      %and3A_319 = vector.broadcast %and3A_318 : i32 to vector<16xi32>
      %and3A_320 = arith.andi %shift_right_logical3A_317, %and3A_319 : vector<16xi32>
      %add3A_321 = arith.addi %add3A_314, %and3A_320 : vector<16xi32>
      %and3A_322 = arith.constant -65536 : i32
      %and3A_323 = vector.broadcast %and3A_322 : i32 to vector<16xi32>
      %and3A_324 = arith.andi %add3A_321, %and3A_323 : vector<16xi32>
      %bitcast_convert_type3A_325 = tpu.bitcast %and3A_324 : vector<16xi32> -> vector<16xf32>
      %swap3A_326 = arith.index_cast %multiple_of3A_263 : i32 to index
      %swap3A_327 = tpu.vector_load %arg12[%swap3A_326] {strides = array<i32>} : memref<4096xf32, #tpu.memory_space<vmem>>, vector<16xf32>,
      tpu.vector_store %arg12[%swap3A_326], %bitcast_convert_type3A_325 {strides = array<i32>} : memref<4096xf32, #tpu.memory_space<vmem>>, vector<16xf32>,
    }
    %scan3A_37 = arith.constant 256 : i32
    %broadcast_in_dim3A = arith.constant 0x7F800000 : f32
    %broadcast_in_dim3A_38 = vector.broadcast %broadcast_in_dim3A : f32 to vector<16xf32>
    %iota3A = tpu.iota {dimensions = array<i32: 0>} : vector<16xi32>
    %scan3A_39 = arith.constant 0 : i32
    %scan3A_40 = arith.constant 0 : i32
    %scan3A_41 = arith.constant 32 : i32
    %scan3A_42 = arith.addi %scan3A_40, %scan3A_41 : i32
    %scan3A_43 = arith.constant 1 : i32
    scf.for %scan3A_57 = %scan3A_40 to %scan3A_42 step %scan3A_43  : i32 {
      %mul3A_58 = arith.constant 16 : i32
      %mul3A_59 = arith.muli %scan3A_57, %mul3A_58 : i32
      %multiple_of3A = tpu.assume_multiple %mul3A_59, 16 : i32
      %get3A = arith.index_cast %multiple_of3A : i32 to index
      %get3A_60 = tpu.vector_load %arg14[%get3A] {strides = array<i32>} : memref<512xf32, #tpu.memory_space<vmem>>, vector<16xf32>,
      %bitcast_convert_type3A = tpu.bitcast %get3A_60 : vector<16xf32> -> vector<16xi32>
      %add3A_61 = arith.constant 32767 : i32
      %add3A_62 = vector.broadcast %add3A_61 : i32 to vector<16xi32>
      %add3A_63 = arith.addi %bitcast_convert_type3A, %add3A_62 : vector<16xi32>
      %shift_right_logical3A = arith.constant 16 : i32
      %shift_right_logical3A_64 = vector.broadcast %shift_right_logical3A : i32 to vector<16xi32>
      %shift_right_logical3A_65 = arith.shrui %bitcast_convert_type3A, %shift_right_logical3A_64 : vector<16xi32>
      %and3A_66 = arith.constant 1 : i32
      %and3A_67 = vector.broadcast %and3A_66 : i32 to vector<16xi32>
      %and3A_68 = arith.andi %shift_right_logical3A_65, %and3A_67 : vector<16xi32>
      %add3A_69 = arith.addi %add3A_63, %and3A_68 : vector<16xi32>
      %and3A_70 = arith.constant -65536 : i32
      %and3A_71 = vector.broadcast %and3A_70 : i32 to vector<16xi32>
      %and3A_72 = arith.andi %add3A_69, %and3A_71 : vector<16xi32>
      %bitcast_convert_type3A_73 = tpu.bitcast %and3A_72 : vector<16xi32> -> vector<16xf32>
      %get3A_74 = arith.index_cast %multiple_of3A : i32 to index
      %get3A_75 = tpu.vector_load %arg15[%get3A_74] {strides = array<i32>} : memref<512xf32, #tpu.memory_space<vmem>>, vector<16xf32>,
      %bitcast_convert_type3A_76 = tpu.bitcast %get3A_75 : vector<16xf32> -> vector<16xi32>
      %add3A_77 = arith.constant 32767 : i32
      %add3A_78 = vector.broadcast %add3A_77 : i32 to vector<16xi32>
      %add3A_79 = arith.addi %bitcast_convert_type3A_76, %add3A_78 : vector<16xi32>
      %shift_right_logical3A_80 = arith.constant 16 : i32
      %shift_right_logical3A_81 = vector.broadcast %shift_right_logical3A_80 : i32 to vector<16xi32>
      %shift_right_logical3A_82 = arith.shrui %bitcast_convert_type3A_76, %shift_right_logical3A_81 : vector<16xi32>
      %and3A_83 = arith.constant 1 : i32
      %and3A_84 = vector.broadcast %and3A_83 : i32 to vector<16xi32>
      %and3A_85 = arith.andi %shift_right_logical3A_82, %and3A_84 : vector<16xi32>
      %add3A_86 = arith.addi %add3A_79, %and3A_85 : vector<16xi32>
      %and3A_87 = arith.constant -65536 : i32
      %and3A_88 = vector.broadcast %and3A_87 : i32 to vector<16xi32>
      %and3A_89 = arith.andi %add3A_86, %and3A_88 : vector<16xi32>
      %bitcast_convert_type3A_90 = tpu.bitcast %and3A_89 : vector<16xi32> -> vector<16xf32>
      %get3A_91 = arith.index_cast %multiple_of3A : i32 to index
      %get3A_92 = tpu.vector_load %arg16[%get3A_91] {strides = array<i32>} : memref<512xf32, #tpu.memory_space<vmem>>, vector<16xf32>,
      %bitcast_convert_type3A_93 = tpu.bitcast %get3A_92 : vector<16xf32> -> vector<16xi32>
      %add3A_94 = arith.constant 32767 : i32
      %add3A_95 = vector.broadcast %add3A_94 : i32 to vector<16xi32>
      %add3A_96 = arith.addi %bitcast_convert_type3A_93, %add3A_95 : vector<16xi32>
      %shift_right_logical3A_97 = arith.constant 16 : i32
      %shift_right_logical3A_98 = vector.broadcast %shift_right_logical3A_97 : i32 to vector<16xi32>
      %shift_right_logical3A_99 = arith.shrui %bitcast_convert_type3A_93, %shift_right_logical3A_98 : vector<16xi32>
      %and3A_100 = arith.constant 1 : i32
      %and3A_101 = vector.broadcast %and3A_100 : i32 to vector<16xi32>
      %and3A_102 = arith.andi %shift_right_logical3A_99, %and3A_101 : vector<16xi32>
      %add3A_103 = arith.addi %add3A_96, %and3A_102 : vector<16xi32>
      %and3A_104 = arith.constant -65536 : i32
      %and3A_105 = vector.broadcast %and3A_104 : i32 to vector<16xi32>
      %and3A_106 = arith.andi %add3A_103, %and3A_105 : vector<16xi32>
      %bitcast_convert_type3A_107 = tpu.bitcast %and3A_106 : vector<16xi32> -> vector<16xf32>
      %broadcast_in_dim3A_108 = arith.constant 0.000000e+00 : f32
      %broadcast_in_dim3A_109 = vector.broadcast %broadcast_in_dim3A_108 : f32 to vector<16xf32>
      %slice3A = vector.extract_strided_slice %bitcast_convert_type3A_73 {offsets = [0], sizes = [1], strides = [1]} : vector<16xf32> to vector<1xf32>
      %squeeze3A = vector.extract %slice3A[0] : f32 from vector<1xf32>
      %broadcast_in_dim3A_110 = vector.broadcast %squeeze3A : f32 to vector<16xf32>
      %mul3A_111 = arith.constant -2.000000e+00 : f32
      %mul3A_112 = vector.broadcast %mul3A_111 : f32 to vector<16xf32>
      %mul3A_113 = arith.mulf %broadcast_in_dim3A_110, %mul3A_112 : vector<16xf32>
      %slice3A_114 = vector.extract_strided_slice %bitcast_convert_type3A_73 {offsets = [1], sizes = [1], strides = [1]} : vector<16xf32> to vector<1xf32>
      %squeeze3A_115 = vector.extract %slice3A_114[0] : f32 from vector<1xf32>
      %broadcast_in_dim3A_116 = vector.broadcast %squeeze3A_115 : f32 to vector<16xf32>
      %mul3A_117 = arith.constant -2.000000e+00 : f32
      %mul3A_118 = vector.broadcast %mul3A_117 : f32 to vector<16xf32>
      %mul3A_119 = arith.mulf %broadcast_in_dim3A_116, %mul3A_118 : vector<16xf32>
      %slice3A_120 = vector.extract_strided_slice %bitcast_convert_type3A_73 {offsets = [2], sizes = [1], strides = [1]} : vector<16xf32> to vector<1xf32>
      %squeeze3A_121 = vector.extract %slice3A_120[0] : f32 from vector<1xf32>
      %broadcast_in_dim3A_122 = vector.broadcast %squeeze3A_121 : f32 to vector<16xf32>
      %mul3A_123 = arith.constant -2.000000e+00 : f32
      %mul3A_124 = vector.broadcast %mul3A_123 : f32 to vector<16xf32>
      %mul3A_125 = arith.mulf %broadcast_in_dim3A_122, %mul3A_124 : vector<16xf32>
      %slice3A_126 = vector.extract_strided_slice %bitcast_convert_type3A_73 {offsets = [3], sizes = [1], strides = [1]} : vector<16xf32> to vector<1xf32>
      %squeeze3A_127 = vector.extract %slice3A_126[0] : f32 from vector<1xf32>
      %broadcast_in_dim3A_128 = vector.broadcast %squeeze3A_127 : f32 to vector<16xf32>
      %mul3A_129 = arith.constant -2.000000e+00 : f32
      %mul3A_130 = vector.broadcast %mul3A_129 : f32 to vector<16xf32>
      %mul3A_131 = arith.mulf %broadcast_in_dim3A_128, %mul3A_130 : vector<16xf32>
      %slice3A_132 = vector.extract_strided_slice %bitcast_convert_type3A_73 {offsets = [4], sizes = [1], strides = [1]} : vector<16xf32> to vector<1xf32>
      %squeeze3A_133 = vector.extract %slice3A_132[0] : f32 from vector<1xf32>
      %broadcast_in_dim3A_134 = vector.broadcast %squeeze3A_133 : f32 to vector<16xf32>
      %mul3A_135 = arith.constant -2.000000e+00 : f32
      %mul3A_136 = vector.broadcast %mul3A_135 : f32 to vector<16xf32>
      %mul3A_137 = arith.mulf %broadcast_in_dim3A_134, %mul3A_136 : vector<16xf32>
      %slice3A_138 = vector.extract_strided_slice %bitcast_convert_type3A_73 {offsets = [5], sizes = [1], strides = [1]} : vector<16xf32> to vector<1xf32>
      %squeeze3A_139 = vector.extract %slice3A_138[0] : f32 from vector<1xf32>
      %broadcast_in_dim3A_140 = vector.broadcast %squeeze3A_139 : f32 to vector<16xf32>
      %mul3A_141 = arith.constant -2.000000e+00 : f32
      %mul3A_142 = vector.broadcast %mul3A_141 : f32 to vector<16xf32>
      %mul3A_143 = arith.mulf %broadcast_in_dim3A_140, %mul3A_142 : vector<16xf32>
      %slice3A_144 = vector.extract_strided_slice %bitcast_convert_type3A_73 {offsets = [6], sizes = [1], strides = [1]} : vector<16xf32> to vector<1xf32>
      %squeeze3A_145 = vector.extract %slice3A_144[0] : f32 from vector<1xf32>
      %broadcast_in_dim3A_146 = vector.broadcast %squeeze3A_145 : f32 to vector<16xf32>
      %mul3A_147 = arith.constant -2.000000e+00 : f32
      %mul3A_148 = vector.broadcast %mul3A_147 : f32 to vector<16xf32>
      %mul3A_149 = arith.mulf %broadcast_in_dim3A_146, %mul3A_148 : vector<16xf32>
      %slice3A_150 = vector.extract_strided_slice %bitcast_convert_type3A_73 {offsets = [7], sizes = [1], strides = [1]} : vector<16xf32> to vector<1xf32>
      %squeeze3A_151 = vector.extract %slice3A_150[0] : f32 from vector<1xf32>
      %broadcast_in_dim3A_152 = vector.broadcast %squeeze3A_151 : f32 to vector<16xf32>
      %mul3A_153 = arith.constant -2.000000e+00 : f32
      %mul3A_154 = vector.broadcast %mul3A_153 : f32 to vector<16xf32>
      %mul3A_155 = arith.mulf %broadcast_in_dim3A_152, %mul3A_154 : vector<16xf32>
      %slice3A_156 = vector.extract_strided_slice %bitcast_convert_type3A_90 {offsets = [0], sizes = [1], strides = [1]} : vector<16xf32> to vector<1xf32>
      %squeeze3A_157 = vector.extract %slice3A_156[0] : f32 from vector<1xf32>
      %broadcast_in_dim3A_158 = vector.broadcast %squeeze3A_157 : f32 to vector<16xf32>
      %mul3A_159 = arith.constant -2.000000e+00 : f32
      %mul3A_160 = vector.broadcast %mul3A_159 : f32 to vector<16xf32>
      %mul3A_161 = arith.mulf %broadcast_in_dim3A_158, %mul3A_160 : vector<16xf32>
      %slice3A_162 = vector.extract_strided_slice %bitcast_convert_type3A_90 {offsets = [1], sizes = [1], strides = [1]} : vector<16xf32> to vector<1xf32>
      %squeeze3A_163 = vector.extract %slice3A_162[0] : f32 from vector<1xf32>
      %broadcast_in_dim3A_164 = vector.broadcast %squeeze3A_163 : f32 to vector<16xf32>
      %mul3A_165 = arith.constant -2.000000e+00 : f32
      %mul3A_166 = vector.broadcast %mul3A_165 : f32 to vector<16xf32>
      %mul3A_167 = arith.mulf %broadcast_in_dim3A_164, %mul3A_166 : vector<16xf32>
      %slice3A_168 = vector.extract_strided_slice %bitcast_convert_type3A_90 {offsets = [2], sizes = [1], strides = [1]} : vector<16xf32> to vector<1xf32>
      %squeeze3A_169 = vector.extract %slice3A_168[0] : f32 from vector<1xf32>
      %broadcast_in_dim3A_170 = vector.broadcast %squeeze3A_169 : f32 to vector<16xf32>
      %mul3A_171 = arith.constant -2.000000e+00 : f32
      %mul3A_172 = vector.broadcast %mul3A_171 : f32 to vector<16xf32>
      %mul3A_173 = arith.mulf %broadcast_in_dim3A_170, %mul3A_172 : vector<16xf32>
      %slice3A_174 = vector.extract_strided_slice %bitcast_convert_type3A_90 {offsets = [3], sizes = [1], strides = [1]} : vector<16xf32> to vector<1xf32>
      %squeeze3A_175 = vector.extract %slice3A_174[0] : f32 from vector<1xf32>
      %broadcast_in_dim3A_176 = vector.broadcast %squeeze3A_175 : f32 to vector<16xf32>
      %mul3A_177 = arith.constant -2.000000e+00 : f32
      %mul3A_178 = vector.broadcast %mul3A_177 : f32 to vector<16xf32>
      %mul3A_179 = arith.mulf %broadcast_in_dim3A_176, %mul3A_178 : vector<16xf32>
      %slice3A_180 = vector.extract_strided_slice %bitcast_convert_type3A_90 {offsets = [4], sizes = [1], strides = [1]} : vector<16xf32> to vector<1xf32>
      %squeeze3A_181 = vector.extract %slice3A_180[0] : f32 from vector<1xf32>
      %broadcast_in_dim3A_182 = vector.broadcast %squeeze3A_181 : f32 to vector<16xf32>
      %mul3A_183 = arith.constant -2.000000e+00 : f32
      %mul3A_184 = vector.broadcast %mul3A_183 : f32 to vector<16xf32>
      %mul3A_185 = arith.mulf %broadcast_in_dim3A_182, %mul3A_184 : vector<16xf32>
      %slice3A_186 = vector.extract_strided_slice %bitcast_convert_type3A_90 {offsets = [5], sizes = [1], strides = [1]} : vector<16xf32> to vector<1xf32>
      %squeeze3A_187 = vector.extract %slice3A_186[0] : f32 from vector<1xf32>
      %broadcast_in_dim3A_188 = vector.broadcast %squeeze3A_187 : f32 to vector<16xf32>
      %mul3A_189 = arith.constant -2.000000e+00 : f32
      %mul3A_190 = vector.broadcast %mul3A_189 : f32 to vector<16xf32>
      %mul3A_191 = arith.mulf %broadcast_in_dim3A_188, %mul3A_190 : vector<16xf32>
      %slice3A_192 = vector.extract_strided_slice %bitcast_convert_type3A_90 {offsets = [6], sizes = [1], strides = [1]} : vector<16xf32> to vector<1xf32>
      %squeeze3A_193 = vector.extract %slice3A_192[0] : f32 from vector<1xf32>
      %broadcast_in_dim3A_194 = vector.broadcast %squeeze3A_193 : f32 to vector<16xf32>
      %mul3A_195 = arith.constant -2.000000e+00 : f32
      %mul3A_196 = vector.broadcast %mul3A_195 : f32 to vector<16xf32>
      %mul3A_197 = arith.mulf %broadcast_in_dim3A_194, %mul3A_196 : vector<16xf32>
      %slice3A_198 = vector.extract_strided_slice %bitcast_convert_type3A_90 {offsets = [7], sizes = [1], strides = [1]} : vector<16xf32> to vector<1xf32>
      %squeeze3A_199 = vector.extract %slice3A_198[0] : f32 from vector<1xf32>
      %broadcast_in_dim3A_200 = vector.broadcast %squeeze3A_199 : f32 to vector<16xf32>
      %mul3A_201 = arith.constant -2.000000e+00 : f32
      %mul3A_202 = vector.broadcast %mul3A_201 : f32 to vector<16xf32>
      %mul3A_203 = arith.mulf %broadcast_in_dim3A_200, %mul3A_202 : vector<16xf32>
      %slice3A_204 = vector.extract_strided_slice %bitcast_convert_type3A_107 {offsets = [0], sizes = [1], strides = [1]} : vector<16xf32> to vector<1xf32>
      %squeeze3A_205 = vector.extract %slice3A_204[0] : f32 from vector<1xf32>
      %broadcast_in_dim3A_206 = vector.broadcast %squeeze3A_205 : f32 to vector<16xf32>
      %mul3A_207 = arith.constant -2.000000e+00 : f32
      %mul3A_208 = vector.broadcast %mul3A_207 : f32 to vector<16xf32>
      %mul3A_209 = arith.mulf %broadcast_in_dim3A_206, %mul3A_208 : vector<16xf32>
      %slice3A_210 = vector.extract_strided_slice %bitcast_convert_type3A_107 {offsets = [1], sizes = [1], strides = [1]} : vector<16xf32> to vector<1xf32>
      %squeeze3A_211 = vector.extract %slice3A_210[0] : f32 from vector<1xf32>
      %broadcast_in_dim3A_212 = vector.broadcast %squeeze3A_211 : f32 to vector<16xf32>
      %mul3A_213 = arith.constant -2.000000e+00 : f32
      %mul3A_214 = vector.broadcast %mul3A_213 : f32 to vector<16xf32>
      %mul3A_215 = arith.mulf %broadcast_in_dim3A_212, %mul3A_214 : vector<16xf32>
      %slice3A_216 = vector.extract_strided_slice %bitcast_convert_type3A_107 {offsets = [2], sizes = [1], strides = [1]} : vector<16xf32> to vector<1xf32>
      %squeeze3A_217 = vector.extract %slice3A_216[0] : f32 from vector<1xf32>
      %broadcast_in_dim3A_218 = vector.broadcast %squeeze3A_217 : f32 to vector<16xf32>
      %mul3A_219 = arith.constant -2.000000e+00 : f32
      %mul3A_220 = vector.broadcast %mul3A_219 : f32 to vector<16xf32>
      %mul3A_221 = arith.mulf %broadcast_in_dim3A_218, %mul3A_220 : vector<16xf32>
      %slice3A_222 = vector.extract_strided_slice %bitcast_convert_type3A_107 {offsets = [3], sizes = [1], strides = [1]} : vector<16xf32> to vector<1xf32>
      %squeeze3A_223 = vector.extract %slice3A_222[0] : f32 from vector<1xf32>
      %broadcast_in_dim3A_224 = vector.broadcast %squeeze3A_223 : f32 to vector<16xf32>
      %mul3A_225 = arith.constant -2.000000e+00 : f32
      %mul3A_226 = vector.broadcast %mul3A_225 : f32 to vector<16xf32>
      %mul3A_227 = arith.mulf %broadcast_in_dim3A_224, %mul3A_226 : vector<16xf32>
      %slice3A_228 = vector.extract_strided_slice %bitcast_convert_type3A_107 {offsets = [4], sizes = [1], strides = [1]} : vector<16xf32> to vector<1xf32>
      %squeeze3A_229 = vector.extract %slice3A_228[0] : f32 from vector<1xf32>
      %broadcast_in_dim3A_230 = vector.broadcast %squeeze3A_229 : f32 to vector<16xf32>
      %mul3A_231 = arith.constant -2.000000e+00 : f32
      %mul3A_232 = vector.broadcast %mul3A_231 : f32 to vector<16xf32>
      %mul3A_233 = arith.mulf %broadcast_in_dim3A_230, %mul3A_232 : vector<16xf32>
      %slice3A_234 = vector.extract_strided_slice %bitcast_convert_type3A_107 {offsets = [5], sizes = [1], strides = [1]} : vector<16xf32> to vector<1xf32>
      %squeeze3A_235 = vector.extract %slice3A_234[0] : f32 from vector<1xf32>
      %broadcast_in_dim3A_236 = vector.broadcast %squeeze3A_235 : f32 to vector<16xf32>
      %mul3A_237 = arith.constant -2.000000e+00 : f32
      %mul3A_238 = vector.broadcast %mul3A_237 : f32 to vector<16xf32>
      %mul3A_239 = arith.mulf %broadcast_in_dim3A_236, %mul3A_238 : vector<16xf32>
      %slice3A_240 = vector.extract_strided_slice %bitcast_convert_type3A_107 {offsets = [6], sizes = [1], strides = [1]} : vector<16xf32> to vector<1xf32>
      %squeeze3A_241 = vector.extract %slice3A_240[0] : f32 from vector<1xf32>
      %broadcast_in_dim3A_242 = vector.broadcast %squeeze3A_241 : f32 to vector<16xf32>
      %mul3A_243 = arith.constant -2.000000e+00 : f32
      %mul3A_244 = vector.broadcast %mul3A_243 : f32 to vector<16xf32>
      %mul3A_245 = arith.mulf %broadcast_in_dim3A_242, %mul3A_244 : vector<16xf32>
      %slice3A_246 = vector.extract_strided_slice %bitcast_convert_type3A_107 {offsets = [7], sizes = [1], strides = [1]} : vector<16xf32> to vector<1xf32>
      %squeeze3A_247 = vector.extract %slice3A_246[0] : f32 from vector<1xf32>
      %broadcast_in_dim3A_248 = vector.broadcast %squeeze3A_247 : f32 to vector<16xf32>
      %mul3A_249 = arith.constant -2.000000e+00 : f32
      %mul3A_250 = vector.broadcast %mul3A_249 : f32 to vector<16xf32>
      %mul3A_251 = arith.mulf %broadcast_in_dim3A_248, %mul3A_250 : vector<16xf32>
      %scan3A_252 = arith.constant 0 : i32
      %scan3A_253 = arith.constant 256 : i32
      %scan3A_254 = arith.addi %scan3A_252, %scan3A_253 : i32
      %scan3A_255 = arith.constant 2 : i32
      %scan3A_256:8 = scf.for %scan3A_553 = %scan3A_252 to %scan3A_254 step %scan3A_255 iter_args(%scan3A_554 = %broadcast_in_dim3A_38, %scan3A_555 = %broadcast_in_dim3A_38, %scan3A_556 = %broadcast_in_dim3A_38, %scan3A_557 = %broadcast_in_dim3A_38, %scan3A_558 = %broadcast_in_dim3A_38, %scan3A_559 = %broadcast_in_dim3A_38, %scan3A_560 = %broadcast_in_dim3A_38, %scan3A_561 = %broadcast_in_dim3A_38) -> (vector<16xf32>, vector<16xf32>, vector<16xf32>, vector<16xf32>, vector<16xf32>, vector<16xf32>, vector<16xf32>, vector<16xf32>)  : i32 {
        %mul3A_562 = arith.constant 16 : i32
        %mul3A_563 = arith.muli %scan3A_553, %mul3A_562 : i32
        %multiple_of3A_564 = tpu.assume_multiple %mul3A_563, 16 : i32
        %get3A_565 = arith.index_cast %multiple_of3A_564 : i32 to index
        %get3A_566 = tpu.vector_load %arg10[%get3A_565] {strides = array<i32>} : memref<4096xf32, #tpu.memory_space<vmem>>, vector<16xf32>,
        %get3A_567 = arith.index_cast %multiple_of3A_564 : i32 to index
        %get3A_568 = tpu.vector_load %arg11[%get3A_567] {strides = array<i32>} : memref<4096xf32, #tpu.memory_space<vmem>>, vector<16xf32>,
        %get3A_569 = arith.index_cast %multiple_of3A_564 : i32 to index
        %get3A_570 = tpu.vector_load %arg12[%get3A_569] {strides = array<i32>} : memref<4096xf32, #tpu.memory_space<vmem>>, vector<16xf32>,
        %get3A_571 = arith.index_cast %multiple_of3A_564 : i32 to index
        %get3A_572 = tpu.vector_load %arg13[%get3A_571] {strides = array<i32>} : memref<4096xf32, #tpu.memory_space<vmem>>, vector<16xf32>,
        %mul3A_573 = arith.mulf %mul3A_113, %get3A_566 : vector<16xf32>
        %add3A_574 = arith.addf %get3A_572, %mul3A_573 : vector<16xf32>
        %mul3A_575 = arith.mulf %mul3A_161, %get3A_568 : vector<16xf32>
        %add3A_576 = arith.addf %add3A_574, %mul3A_575 : vector<16xf32>
        %mul3A_577 = arith.mulf %mul3A_209, %get3A_570 : vector<16xf32>
        %add3A_578 = arith.addf %add3A_576, %mul3A_577 : vector<16xf32>
        %min3A = arith.minimumf %scan3A_554, %add3A_578 : vector<16xf32>
        %mul3A_579 = arith.mulf %mul3A_119, %get3A_566 : vector<16xf32>
        %add3A_580 = arith.addf %get3A_572, %mul3A_579 : vector<16xf32>
        %mul3A_581 = arith.mulf %mul3A_167, %get3A_568 : vector<16xf32>
        %add3A_582 = arith.addf %add3A_580, %mul3A_581 : vector<16xf32>
        %mul3A_583 = arith.mulf %mul3A_215, %get3A_570 : vector<16xf32>
        %add3A_584 = arith.addf %add3A_582, %mul3A_583 : vector<16xf32>
        %min3A_585 = arith.minimumf %scan3A_555, %add3A_584 : vector<16xf32>
        %mul3A_586 = arith.mulf %mul3A_125, %get3A_566 : vector<16xf32>
        %add3A_587 = arith.addf %get3A_572, %mul3A_586 : vector<16xf32>
        %mul3A_588 = arith.mulf %mul3A_173, %get3A_568 : vector<16xf32>
        %add3A_589 = arith.addf %add3A_587, %mul3A_588 : vector<16xf32>
        %mul3A_590 = arith.mulf %mul3A_221, %get3A_570 : vector<16xf32>
        %add3A_591 = arith.addf %add3A_589, %mul3A_590 : vector<16xf32>
        %min3A_592 = arith.minimumf %scan3A_556, %add3A_591 : vector<16xf32>
        %mul3A_593 = arith.mulf %mul3A_131, %get3A_566 : vector<16xf32>
        %add3A_594 = arith.addf %get3A_572, %mul3A_593 : vector<16xf32>
        %mul3A_595 = arith.mulf %mul3A_179, %get3A_568 : vector<16xf32>
        %add3A_596 = arith.addf %add3A_594, %mul3A_595 : vector<16xf32>
        %mul3A_597 = arith.mulf %mul3A_227, %get3A_570 : vector<16xf32>
        %add3A_598 = arith.addf %add3A_596, %mul3A_597 : vector<16xf32>
        %min3A_599 = arith.minimumf %scan3A_557, %add3A_598 : vector<16xf32>
        %mul3A_600 = arith.mulf %mul3A_137, %get3A_566 : vector<16xf32>
        %add3A_601 = arith.addf %get3A_572, %mul3A_600 : vector<16xf32>
        %mul3A_602 = arith.mulf %mul3A_185, %get3A_568 : vector<16xf32>
        %add3A_603 = arith.addf %add3A_601, %mul3A_602 : vector<16xf32>
        %mul3A_604 = arith.mulf %mul3A_233, %get3A_570 : vector<16xf32>
        %add3A_605 = arith.addf %add3A_603, %mul3A_604 : vector<16xf32>
        %min3A_606 = arith.minimumf %scan3A_558, %add3A_605 : vector<16xf32>
        %mul3A_607 = arith.mulf %mul3A_143, %get3A_566 : vector<16xf32>
        %add3A_608 = arith.addf %get3A_572, %mul3A_607 : vector<16xf32>
        %mul3A_609 = arith.mulf %mul3A_191, %get3A_568 : vector<16xf32>
        %add3A_610 = arith.addf %add3A_608, %mul3A_609 : vector<16xf32>
        %mul3A_611 = arith.mulf %mul3A_239, %get3A_570 : vector<16xf32>
        %add3A_612 = arith.addf %add3A_610, %mul3A_611 : vector<16xf32>
        %min3A_613 = arith.minimumf %scan3A_559, %add3A_612 : vector<16xf32>
        %mul3A_614 = arith.mulf %mul3A_149, %get3A_566 : vector<16xf32>
        %add3A_615 = arith.addf %get3A_572, %mul3A_614 : vector<16xf32>
        %mul3A_616 = arith.mulf %mul3A_197, %get3A_568 : vector<16xf32>
        %add3A_617 = arith.addf %add3A_615, %mul3A_616 : vector<16xf32>
        %mul3A_618 = arith.mulf %mul3A_245, %get3A_570 : vector<16xf32>
        %add3A_619 = arith.addf %add3A_617, %mul3A_618 : vector<16xf32>
        %min3A_620 = arith.minimumf %scan3A_560, %add3A_619 : vector<16xf32>
        %mul3A_621 = arith.mulf %mul3A_155, %get3A_566 : vector<16xf32>
        %add3A_622 = arith.addf %get3A_572, %mul3A_621 : vector<16xf32>
        %mul3A_623 = arith.mulf %mul3A_203, %get3A_568 : vector<16xf32>
        %add3A_624 = arith.addf %add3A_622, %mul3A_623 : vector<16xf32>
        %mul3A_625 = arith.mulf %mul3A_251, %get3A_570 : vector<16xf32>
        %add3A_626 = arith.addf %add3A_624, %mul3A_625 : vector<16xf32>
        %min3A_627 = arith.minimumf %scan3A_561, %add3A_626 : vector<16xf32>
        %scan3A_628 = arith.constant 1 : i32
        %scan3A_629 = arith.addi %scan3A_553, %scan3A_628 : i32
        %mul3A_630 = arith.constant 16 : i32
        %mul3A_631 = arith.muli %scan3A_629, %mul3A_630 : i32
        %multiple_of3A_632 = tpu.assume_multiple %mul3A_631, 16 : i32
        %get3A_633 = arith.index_cast %multiple_of3A_632 : i32 to index
        %get3A_634 = tpu.vector_load %arg10[%get3A_633] {strides = array<i32>} : memref<4096xf32, #tpu.memory_space<vmem>>, vector<16xf32>,
        %get3A_635 = arith.index_cast %multiple_of3A_632 : i32 to index
        %get3A_636 = tpu.vector_load %arg11[%get3A_635] {strides = array<i32>} : memref<4096xf32, #tpu.memory_space<vmem>>, vector<16xf32>,
        %get3A_637 = arith.index_cast %multiple_of3A_632 : i32 to index
        %get3A_638 = tpu.vector_load %arg12[%get3A_637] {strides = array<i32>} : memref<4096xf32, #tpu.memory_space<vmem>>, vector<16xf32>,
        %get3A_639 = arith.index_cast %multiple_of3A_632 : i32 to index
        %get3A_640 = tpu.vector_load %arg13[%get3A_639] {strides = array<i32>} : memref<4096xf32, #tpu.memory_space<vmem>>, vector<16xf32>,
        %mul3A_641 = arith.mulf %mul3A_113, %get3A_634 : vector<16xf32>
        %add3A_642 = arith.addf %get3A_640, %mul3A_641 : vector<16xf32>
        %mul3A_643 = arith.mulf %mul3A_161, %get3A_636 : vector<16xf32>
        %add3A_644 = arith.addf %add3A_642, %mul3A_643 : vector<16xf32>
        %mul3A_645 = arith.mulf %mul3A_209, %get3A_638 : vector<16xf32>
        %add3A_646 = arith.addf %add3A_644, %mul3A_645 : vector<16xf32>
        %min3A_647 = arith.minimumf %min3A, %add3A_646 : vector<16xf32>
        %mul3A_648 = arith.mulf %mul3A_119, %get3A_634 : vector<16xf32>
        %add3A_649 = arith.addf %get3A_640, %mul3A_648 : vector<16xf32>
        %mul3A_650 = arith.mulf %mul3A_167, %get3A_636 : vector<16xf32>
        %add3A_651 = arith.addf %add3A_649, %mul3A_650 : vector<16xf32>
        %mul3A_652 = arith.mulf %mul3A_215, %get3A_638 : vector<16xf32>
        %add3A_653 = arith.addf %add3A_651, %mul3A_652 : vector<16xf32>
        %min3A_654 = arith.minimumf %min3A_585, %add3A_653 : vector<16xf32>
        %mul3A_655 = arith.mulf %mul3A_125, %get3A_634 : vector<16xf32>
        %add3A_656 = arith.addf %get3A_640, %mul3A_655 : vector<16xf32>
        %mul3A_657 = arith.mulf %mul3A_173, %get3A_636 : vector<16xf32>
        %add3A_658 = arith.addf %add3A_656, %mul3A_657 : vector<16xf32>
        %mul3A_659 = arith.mulf %mul3A_221, %get3A_638 : vector<16xf32>
        %add3A_660 = arith.addf %add3A_658, %mul3A_659 : vector<16xf32>
        %min3A_661 = arith.minimumf %min3A_592, %add3A_660 : vector<16xf32>
        %mul3A_662 = arith.mulf %mul3A_131, %get3A_634 : vector<16xf32>
        %add3A_663 = arith.addf %get3A_640, %mul3A_662 : vector<16xf32>
        %mul3A_664 = arith.mulf %mul3A_179, %get3A_636 : vector<16xf32>
        %add3A_665 = arith.addf %add3A_663, %mul3A_664 : vector<16xf32>
        %mul3A_666 = arith.mulf %mul3A_227, %get3A_638 : vector<16xf32>
        %add3A_667 = arith.addf %add3A_665, %mul3A_666 : vector<16xf32>
        %min3A_668 = arith.minimumf %min3A_599, %add3A_667 : vector<16xf32>
        %mul3A_669 = arith.mulf %mul3A_137, %get3A_634 : vector<16xf32>
        %add3A_670 = arith.addf %get3A_640, %mul3A_669 : vector<16xf32>
        %mul3A_671 = arith.mulf %mul3A_185, %get3A_636 : vector<16xf32>
        %add3A_672 = arith.addf %add3A_670, %mul3A_671 : vector<16xf32>
        %mul3A_673 = arith.mulf %mul3A_233, %get3A_638 : vector<16xf32>
        %add3A_674 = arith.addf %add3A_672, %mul3A_673 : vector<16xf32>
        %min3A_675 = arith.minimumf %min3A_606, %add3A_674 : vector<16xf32>
        %mul3A_676 = arith.mulf %mul3A_143, %get3A_634 : vector<16xf32>
        %add3A_677 = arith.addf %get3A_640, %mul3A_676 : vector<16xf32>
        %mul3A_678 = arith.mulf %mul3A_191, %get3A_636 : vector<16xf32>
        %add3A_679 = arith.addf %add3A_677, %mul3A_678 : vector<16xf32>
        %mul3A_680 = arith.mulf %mul3A_239, %get3A_638 : vector<16xf32>
        %add3A_681 = arith.addf %add3A_679, %mul3A_680 : vector<16xf32>
        %min3A_682 = arith.minimumf %min3A_613, %add3A_681 : vector<16xf32>
        %mul3A_683 = arith.mulf %mul3A_149, %get3A_634 : vector<16xf32>
        %add3A_684 = arith.addf %get3A_640, %mul3A_683 : vector<16xf32>
        %mul3A_685 = arith.mulf %mul3A_197, %get3A_636 : vector<16xf32>
        %add3A_686 = arith.addf %add3A_684, %mul3A_685 : vector<16xf32>
        %mul3A_687 = arith.mulf %mul3A_245, %get3A_638 : vector<16xf32>
        %add3A_688 = arith.addf %add3A_686, %mul3A_687 : vector<16xf32>
        %min3A_689 = arith.minimumf %min3A_620, %add3A_688 : vector<16xf32>
        %mul3A_690 = arith.mulf %mul3A_155, %get3A_634 : vector<16xf32>
        %add3A_691 = arith.addf %get3A_640, %mul3A_690 : vector<16xf32>
        %mul3A_692 = arith.mulf %mul3A_203, %get3A_636 : vector<16xf32>
        %add3A_693 = arith.addf %add3A_691, %mul3A_692 : vector<16xf32>
        %mul3A_694 = arith.mulf %mul3A_251, %get3A_638 : vector<16xf32>
        %add3A_695 = arith.addf %add3A_693, %mul3A_694 : vector<16xf32>
        %min3A_696 = arith.minimumf %min3A_627, %add3A_695 : vector<16xf32>
        scf.yield %min3A_647, %min3A_654, %min3A_661, %min3A_668, %min3A_675, %min3A_682, %min3A_689, %min3A_696 : vector<16xf32>, vector<16xf32>, vector<16xf32>, vector<16xf32>, vector<16xf32>, vector<16xf32>, vector<16xf32>, vector<16xf32>
      }
      %scan3A_257 = arith.constant 256 : i32
      %reduce_min3A = arith.constant true
      %reduce_min3A_258 = vector.broadcast %reduce_min3A : i1 to vector<16xi1>
      %reduce_min3A_259 = tpu.scan <min>, %scan3A_256#0 masked %reduce_min3A_258 : vector<16xf32>, vector<16xi1> -> vector<16xf32>
      %reduce_min3A_260 = vector.extract %reduce_min3A_259[15] : f32 from vector<16xf32>
      %eq3A_261 = arith.constant 0 : i32
      %eq3A_262 = vector.broadcast %eq3A_261 : i32 to vector<16xi32>
      %eq3A_263 = arith.cmpi eq, %iota3A, %eq3A_262 : vector<16xi32>
      %broadcast_in_dim3A_264 = vector.broadcast %reduce_min3A_260 : f32 to vector<16xf32>
      %select_n3A_265 = arith.select %eq3A_263, %broadcast_in_dim3A_264, %broadcast_in_dim3A_109 : vector<16xi1>, vector<16xf32>
      %reduce_min3A_266 = arith.constant true
      %reduce_min3A_267 = vector.broadcast %reduce_min3A_266 : i1 to vector<16xi1>
      %reduce_min3A_268 = tpu.scan <min>, %scan3A_256#1 masked %reduce_min3A_267 : vector<16xf32>, vector<16xi1> -> vector<16xf32>
      %reduce_min3A_269 = vector.extract %reduce_min3A_268[15] : f32 from vector<16xf32>
      %eq3A_270 = arith.constant 1 : i32
      %eq3A_271 = vector.broadcast %eq3A_270 : i32 to vector<16xi32>
      %eq3A_272 = arith.cmpi eq, %iota3A, %eq3A_271 : vector<16xi32>
      %broadcast_in_dim3A_273 = vector.broadcast %reduce_min3A_269 : f32 to vector<16xf32>
      %select_n3A_274 = arith.select %eq3A_272, %broadcast_in_dim3A_273, %select_n3A_265 : vector<16xi1>, vector<16xf32>
      %reduce_min3A_275 = arith.constant true
      %reduce_min3A_276 = vector.broadcast %reduce_min3A_275 : i1 to vector<16xi1>
      %reduce_min3A_277 = tpu.scan <min>, %scan3A_256#2 masked %reduce_min3A_276 : vector<16xf32>, vector<16xi1> -> vector<16xf32>
      %reduce_min3A_278 = vector.extract %reduce_min3A_277[15] : f32 from vector<16xf32>
      %eq3A_279 = arith.constant 2 : i32
      %eq3A_280 = vector.broadcast %eq3A_279 : i32 to vector<16xi32>
      %eq3A_281 = arith.cmpi eq, %iota3A, %eq3A_280 : vector<16xi32>
      %broadcast_in_dim3A_282 = vector.broadcast %reduce_min3A_278 : f32 to vector<16xf32>
      %select_n3A_283 = arith.select %eq3A_281, %broadcast_in_dim3A_282, %select_n3A_274 : vector<16xi1>, vector<16xf32>
      %reduce_min3A_284 = arith.constant true
      %reduce_min3A_285 = vector.broadcast %reduce_min3A_284 : i1 to vector<16xi1>
      %reduce_min3A_286 = tpu.scan <min>, %scan3A_256#3 masked %reduce_min3A_285 : vector<16xf32>, vector<16xi1> -> vector<16xf32>
      %reduce_min3A_287 = vector.extract %reduce_min3A_286[15] : f32 from vector<16xf32>
      %eq3A_288 = arith.constant 3 : i32
      %eq3A_289 = vector.broadcast %eq3A_288 : i32 to vector<16xi32>
      %eq3A_290 = arith.cmpi eq, %iota3A, %eq3A_289 : vector<16xi32>
      %broadcast_in_dim3A_291 = vector.broadcast %reduce_min3A_287 : f32 to vector<16xf32>
      %select_n3A_292 = arith.select %eq3A_290, %broadcast_in_dim3A_291, %select_n3A_283 : vector<16xi1>, vector<16xf32>
      %reduce_min3A_293 = arith.constant true
      %reduce_min3A_294 = vector.broadcast %reduce_min3A_293 : i1 to vector<16xi1>
      %reduce_min3A_295 = tpu.scan <min>, %scan3A_256#4 masked %reduce_min3A_294 : vector<16xf32>, vector<16xi1> -> vector<16xf32>
      %reduce_min3A_296 = vector.extract %reduce_min3A_295[15] : f32 from vector<16xf32>
      %eq3A_297 = arith.constant 4 : i32
      %eq3A_298 = vector.broadcast %eq3A_297 : i32 to vector<16xi32>
      %eq3A_299 = arith.cmpi eq, %iota3A, %eq3A_298 : vector<16xi32>
      %broadcast_in_dim3A_300 = vector.broadcast %reduce_min3A_296 : f32 to vector<16xf32>
      %select_n3A_301 = arith.select %eq3A_299, %broadcast_in_dim3A_300, %select_n3A_292 : vector<16xi1>, vector<16xf32>
      %reduce_min3A_302 = arith.constant true
      %reduce_min3A_303 = vector.broadcast %reduce_min3A_302 : i1 to vector<16xi1>
      %reduce_min3A_304 = tpu.scan <min>, %scan3A_256#5 masked %reduce_min3A_303 : vector<16xf32>, vector<16xi1> -> vector<16xf32>
      %reduce_min3A_305 = vector.extract %reduce_min3A_304[15] : f32 from vector<16xf32>
      %eq3A_306 = arith.constant 5 : i32
      %eq3A_307 = vector.broadcast %eq3A_306 : i32 to vector<16xi32>
      %eq3A_308 = arith.cmpi eq, %iota3A, %eq3A_307 : vector<16xi32>
      %broadcast_in_dim3A_309 = vector.broadcast %reduce_min3A_305 : f32 to vector<16xf32>
      %select_n3A_310 = arith.select %eq3A_308, %broadcast_in_dim3A_309, %select_n3A_301 : vector<16xi1>, vector<16xf32>
      %reduce_min3A_311 = arith.constant true
      %reduce_min3A_312 = vector.broadcast %reduce_min3A_311 : i1 to vector<16xi1>
      %reduce_min3A_313 = tpu.scan <min>, %scan3A_256#6 masked %reduce_min3A_312 : vector<16xf32>, vector<16xi1> -> vector<16xf32>
      %reduce_min3A_314 = vector.extract %reduce_min3A_313[15] : f32 from vector<16xf32>
      %eq3A_315 = arith.constant 6 : i32
      %eq3A_316 = vector.broadcast %eq3A_315 : i32 to vector<16xi32>
      %eq3A_317 = arith.cmpi eq, %iota3A, %eq3A_316 : vector<16xi32>
      %broadcast_in_dim3A_318 = vector.broadcast %reduce_min3A_314 : f32 to vector<16xf32>
      %select_n3A_319 = arith.select %eq3A_317, %broadcast_in_dim3A_318, %select_n3A_310 : vector<16xi1>, vector<16xf32>
      %reduce_min3A_320 = arith.constant true
      %reduce_min3A_321 = vector.broadcast %reduce_min3A_320 : i1 to vector<16xi1>
      %reduce_min3A_322 = tpu.scan <min>, %scan3A_256#7 masked %reduce_min3A_321 : vector<16xf32>, vector<16xi1> -> vector<16xf32>
      %reduce_min3A_323 = vector.extract %reduce_min3A_322[15] : f32 from vector<16xf32>
      %eq3A_324 = arith.constant 7 : i32
      %eq3A_325 = vector.broadcast %eq3A_324 : i32 to vector<16xi32>
      %eq3A_326 = arith.cmpi eq, %iota3A, %eq3A_325 : vector<16xi32>
      %broadcast_in_dim3A_327 = vector.broadcast %reduce_min3A_323 : f32 to vector<16xf32>
      %select_n3A_328 = arith.select %eq3A_326, %broadcast_in_dim3A_327, %select_n3A_319 : vector<16xi1>, vector<16xf32>
      %slice3A_329 = vector.extract_strided_slice %bitcast_convert_type3A_73 {offsets = [8], sizes = [1], strides = [1]} : vector<16xf32> to vector<1xf32>
      %squeeze3A_330 = vector.extract %slice3A_329[0] : f32 from vector<1xf32>
      %broadcast_in_dim3A_331 = vector.broadcast %squeeze3A_330 : f32 to vector<16xf32>
      %mul3A_332 = arith.constant -2.000000e+00 : f32
      %mul3A_333 = vector.broadcast %mul3A_332 : f32 to vector<16xf32>
      %mul3A_334 = arith.mulf %broadcast_in_dim3A_331, %mul3A_333 : vector<16xf32>
      %slice3A_335 = vector.extract_strided_slice %bitcast_convert_type3A_73 {offsets = [9], sizes = [1], strides = [1]} : vector<16xf32> to vector<1xf32>
      %squeeze3A_336 = vector.extract %slice3A_335[0] : f32 from vector<1xf32>
      %broadcast_in_dim3A_337 = vector.broadcast %squeeze3A_336 : f32 to vector<16xf32>
      %mul3A_338 = arith.constant -2.000000e+00 : f32
      %mul3A_339 = vector.broadcast %mul3A_338 : f32 to vector<16xf32>
      %mul3A_340 = arith.mulf %broadcast_in_dim3A_337, %mul3A_339 : vector<16xf32>
      %slice3A_341 = vector.extract_strided_slice %bitcast_convert_type3A_73 {offsets = [10], sizes = [1], strides = [1]} : vector<16xf32> to vector<1xf32>
      %squeeze3A_342 = vector.extract %slice3A_341[0] : f32 from vector<1xf32>
      %broadcast_in_dim3A_343 = vector.broadcast %squeeze3A_342 : f32 to vector<16xf32>
      %mul3A_344 = arith.constant -2.000000e+00 : f32
      %mul3A_345 = vector.broadcast %mul3A_344 : f32 to vector<16xf32>
      %mul3A_346 = arith.mulf %broadcast_in_dim3A_343, %mul3A_345 : vector<16xf32>
      %slice3A_347 = vector.extract_strided_slice %bitcast_convert_type3A_73 {offsets = [11], sizes = [1], strides = [1]} : vector<16xf32> to vector<1xf32>
      %squeeze3A_348 = vector.extract %slice3A_347[0] : f32 from vector<1xf32>
      %broadcast_in_dim3A_349 = vector.broadcast %squeeze3A_348 : f32 to vector<16xf32>
      %mul3A_350 = arith.constant -2.000000e+00 : f32
      %mul3A_351 = vector.broadcast %mul3A_350 : f32 to vector<16xf32>
      %mul3A_352 = arith.mulf %broadcast_in_dim3A_349, %mul3A_351 : vector<16xf32>
      %slice3A_353 = vector.extract_strided_slice %bitcast_convert_type3A_73 {offsets = [12], sizes = [1], strides = [1]} : vector<16xf32> to vector<1xf32>
      %squeeze3A_354 = vector.extract %slice3A_353[0] : f32 from vector<1xf32>
      %broadcast_in_dim3A_355 = vector.broadcast %squeeze3A_354 : f32 to vector<16xf32>
      %mul3A_356 = arith.constant -2.000000e+00 : f32
      %mul3A_357 = vector.broadcast %mul3A_356 : f32 to vector<16xf32>
      %mul3A_358 = arith.mulf %broadcast_in_dim3A_355, %mul3A_357 : vector<16xf32>
      %slice3A_359 = vector.extract_strided_slice %bitcast_convert_type3A_73 {offsets = [13], sizes = [1], strides = [1]} : vector<16xf32> to vector<1xf32>
      %squeeze3A_360 = vector.extract %slice3A_359[0] : f32 from vector<1xf32>
      %broadcast_in_dim3A_361 = vector.broadcast %squeeze3A_360 : f32 to vector<16xf32>
      %mul3A_362 = arith.constant -2.000000e+00 : f32
      %mul3A_363 = vector.broadcast %mul3A_362 : f32 to vector<16xf32>
      %mul3A_364 = arith.mulf %broadcast_in_dim3A_361, %mul3A_363 : vector<16xf32>
      %slice3A_365 = vector.extract_strided_slice %bitcast_convert_type3A_73 {offsets = [14], sizes = [1], strides = [1]} : vector<16xf32> to vector<1xf32>
      %squeeze3A_366 = vector.extract %slice3A_365[0] : f32 from vector<1xf32>
      %broadcast_in_dim3A_367 = vector.broadcast %squeeze3A_366 : f32 to vector<16xf32>
      %mul3A_368 = arith.constant -2.000000e+00 : f32
      %mul3A_369 = vector.broadcast %mul3A_368 : f32 to vector<16xf32>
      %mul3A_370 = arith.mulf %broadcast_in_dim3A_367, %mul3A_369 : vector<16xf32>
      %slice3A_371 = vector.extract_strided_slice %bitcast_convert_type3A_73 {offsets = [15], sizes = [1], strides = [1]} : vector<16xf32> to vector<1xf32>
      %squeeze3A_372 = vector.extract %slice3A_371[0] : f32 from vector<1xf32>
      %broadcast_in_dim3A_373 = vector.broadcast %squeeze3A_372 : f32 to vector<16xf32>
      %mul3A_374 = arith.constant -2.000000e+00 : f32
      %mul3A_375 = vector.broadcast %mul3A_374 : f32 to vector<16xf32>
      %mul3A_376 = arith.mulf %broadcast_in_dim3A_373, %mul3A_375 : vector<16xf32>
      %slice3A_377 = vector.extract_strided_slice %bitcast_convert_type3A_90 {offsets = [8], sizes = [1], strides = [1]} : vector<16xf32> to vector<1xf32>
      %squeeze3A_378 = vector.extract %slice3A_377[0] : f32 from vector<1xf32>
      %broadcast_in_dim3A_379 = vector.broadcast %squeeze3A_378 : f32 to vector<16xf32>
      %mul3A_380 = arith.constant -2.000000e+00 : f32
      %mul3A_381 = vector.broadcast %mul3A_380 : f32 to vector<16xf32>
      %mul3A_382 = arith.mulf %broadcast_in_dim3A_379, %mul3A_381 : vector<16xf32>
      %slice3A_383 = vector.extract_strided_slice %bitcast_convert_type3A_90 {offsets = [9], sizes = [1], strides = [1]} : vector<16xf32> to vector<1xf32>
      %squeeze3A_384 = vector.extract %slice3A_383[0] : f32 from vector<1xf32>
      %broadcast_in_dim3A_385 = vector.broadcast %squeeze3A_384 : f32 to vector<16xf32>
      %mul3A_386 = arith.constant -2.000000e+00 : f32
      %mul3A_387 = vector.broadcast %mul3A_386 : f32 to vector<16xf32>
      %mul3A_388 = arith.mulf %broadcast_in_dim3A_385, %mul3A_387 : vector<16xf32>
      %slice3A_389 = vector.extract_strided_slice %bitcast_convert_type3A_90 {offsets = [10], sizes = [1], strides = [1]} : vector<16xf32> to vector<1xf32>
      %squeeze3A_390 = vector.extract %slice3A_389[0] : f32 from vector<1xf32>
      %broadcast_in_dim3A_391 = vector.broadcast %squeeze3A_390 : f32 to vector<16xf32>
      %mul3A_392 = arith.constant -2.000000e+00 : f32
      %mul3A_393 = vector.broadcast %mul3A_392 : f32 to vector<16xf32>
      %mul3A_394 = arith.mulf %broadcast_in_dim3A_391, %mul3A_393 : vector<16xf32>
      %slice3A_395 = vector.extract_strided_slice %bitcast_convert_type3A_90 {offsets = [11], sizes = [1], strides = [1]} : vector<16xf32> to vector<1xf32>
      %squeeze3A_396 = vector.extract %slice3A_395[0] : f32 from vector<1xf32>
      %broadcast_in_dim3A_397 = vector.broadcast %squeeze3A_396 : f32 to vector<16xf32>
      %mul3A_398 = arith.constant -2.000000e+00 : f32
      %mul3A_399 = vector.broadcast %mul3A_398 : f32 to vector<16xf32>
      %mul3A_400 = arith.mulf %broadcast_in_dim3A_397, %mul3A_399 : vector<16xf32>
      %slice3A_401 = vector.extract_strided_slice %bitcast_convert_type3A_90 {offsets = [12], sizes = [1], strides = [1]} : vector<16xf32> to vector<1xf32>
      %squeeze3A_402 = vector.extract %slice3A_401[0] : f32 from vector<1xf32>
      %broadcast_in_dim3A_403 = vector.broadcast %squeeze3A_402 : f32 to vector<16xf32>
      %mul3A_404 = arith.constant -2.000000e+00 : f32
      %mul3A_405 = vector.broadcast %mul3A_404 : f32 to vector<16xf32>
      %mul3A_406 = arith.mulf %broadcast_in_dim3A_403, %mul3A_405 : vector<16xf32>
      %slice3A_407 = vector.extract_strided_slice %bitcast_convert_type3A_90 {offsets = [13], sizes = [1], strides = [1]} : vector<16xf32> to vector<1xf32>
      %squeeze3A_408 = vector.extract %slice3A_407[0] : f32 from vector<1xf32>
      %broadcast_in_dim3A_409 = vector.broadcast %squeeze3A_408 : f32 to vector<16xf32>
      %mul3A_410 = arith.constant -2.000000e+00 : f32
      %mul3A_411 = vector.broadcast %mul3A_410 : f32 to vector<16xf32>
      %mul3A_412 = arith.mulf %broadcast_in_dim3A_409, %mul3A_411 : vector<16xf32>
      %slice3A_413 = vector.extract_strided_slice %bitcast_convert_type3A_90 {offsets = [14], sizes = [1], strides = [1]} : vector<16xf32> to vector<1xf32>
      %squeeze3A_414 = vector.extract %slice3A_413[0] : f32 from vector<1xf32>
      %broadcast_in_dim3A_415 = vector.broadcast %squeeze3A_414 : f32 to vector<16xf32>
      %mul3A_416 = arith.constant -2.000000e+00 : f32
      %mul3A_417 = vector.broadcast %mul3A_416 : f32 to vector<16xf32>
      %mul3A_418 = arith.mulf %broadcast_in_dim3A_415, %mul3A_417 : vector<16xf32>
      %slice3A_419 = vector.extract_strided_slice %bitcast_convert_type3A_90 {offsets = [15], sizes = [1], strides = [1]} : vector<16xf32> to vector<1xf32>
      %squeeze3A_420 = vector.extract %slice3A_419[0] : f32 from vector<1xf32>
      %broadcast_in_dim3A_421 = vector.broadcast %squeeze3A_420 : f32 to vector<16xf32>
      %mul3A_422 = arith.constant -2.000000e+00 : f32
      %mul3A_423 = vector.broadcast %mul3A_422 : f32 to vector<16xf32>
      %mul3A_424 = arith.mulf %broadcast_in_dim3A_421, %mul3A_423 : vector<16xf32>
      %slice3A_425 = vector.extract_strided_slice %bitcast_convert_type3A_107 {offsets = [8], sizes = [1], strides = [1]} : vector<16xf32> to vector<1xf32>
      %squeeze3A_426 = vector.extract %slice3A_425[0] : f32 from vector<1xf32>
      %broadcast_in_dim3A_427 = vector.broadcast %squeeze3A_426 : f32 to vector<16xf32>
      %mul3A_428 = arith.constant -2.000000e+00 : f32
      %mul3A_429 = vector.broadcast %mul3A_428 : f32 to vector<16xf32>
      %mul3A_430 = arith.mulf %broadcast_in_dim3A_427, %mul3A_429 : vector<16xf32>
      %slice3A_431 = vector.extract_strided_slice %bitcast_convert_type3A_107 {offsets = [9], sizes = [1], strides = [1]} : vector<16xf32> to vector<1xf32>
      %squeeze3A_432 = vector.extract %slice3A_431[0] : f32 from vector<1xf32>
      %broadcast_in_dim3A_433 = vector.broadcast %squeeze3A_432 : f32 to vector<16xf32>
      %mul3A_434 = arith.constant -2.000000e+00 : f32
      %mul3A_435 = vector.broadcast %mul3A_434 : f32 to vector<16xf32>
      %mul3A_436 = arith.mulf %broadcast_in_dim3A_433, %mul3A_435 : vector<16xf32>
      %slice3A_437 = vector.extract_strided_slice %bitcast_convert_type3A_107 {offsets = [10], sizes = [1], strides = [1]} : vector<16xf32> to vector<1xf32>
      %squeeze3A_438 = vector.extract %slice3A_437[0] : f32 from vector<1xf32>
      %broadcast_in_dim3A_439 = vector.broadcast %squeeze3A_438 : f32 to vector<16xf32>
      %mul3A_440 = arith.constant -2.000000e+00 : f32
      %mul3A_441 = vector.broadcast %mul3A_440 : f32 to vector<16xf32>
      %mul3A_442 = arith.mulf %broadcast_in_dim3A_439, %mul3A_441 : vector<16xf32>
      %slice3A_443 = vector.extract_strided_slice %bitcast_convert_type3A_107 {offsets = [11], sizes = [1], strides = [1]} : vector<16xf32> to vector<1xf32>
      %squeeze3A_444 = vector.extract %slice3A_443[0] : f32 from vector<1xf32>
      %broadcast_in_dim3A_445 = vector.broadcast %squeeze3A_444 : f32 to vector<16xf32>
      %mul3A_446 = arith.constant -2.000000e+00 : f32
      %mul3A_447 = vector.broadcast %mul3A_446 : f32 to vector<16xf32>
      %mul3A_448 = arith.mulf %broadcast_in_dim3A_445, %mul3A_447 : vector<16xf32>
      %slice3A_449 = vector.extract_strided_slice %bitcast_convert_type3A_107 {offsets = [12], sizes = [1], strides = [1]} : vector<16xf32> to vector<1xf32>
      %squeeze3A_450 = vector.extract %slice3A_449[0] : f32 from vector<1xf32>
      %broadcast_in_dim3A_451 = vector.broadcast %squeeze3A_450 : f32 to vector<16xf32>
      %mul3A_452 = arith.constant -2.000000e+00 : f32
      %mul3A_453 = vector.broadcast %mul3A_452 : f32 to vector<16xf32>
      %mul3A_454 = arith.mulf %broadcast_in_dim3A_451, %mul3A_453 : vector<16xf32>
      %slice3A_455 = vector.extract_strided_slice %bitcast_convert_type3A_107 {offsets = [13], sizes = [1], strides = [1]} : vector<16xf32> to vector<1xf32>
      %squeeze3A_456 = vector.extract %slice3A_455[0] : f32 from vector<1xf32>
      %broadcast_in_dim3A_457 = vector.broadcast %squeeze3A_456 : f32 to vector<16xf32>
      %mul3A_458 = arith.constant -2.000000e+00 : f32
      %mul3A_459 = vector.broadcast %mul3A_458 : f32 to vector<16xf32>
      %mul3A_460 = arith.mulf %broadcast_in_dim3A_457, %mul3A_459 : vector<16xf32>
      %slice3A_461 = vector.extract_strided_slice %bitcast_convert_type3A_107 {offsets = [14], sizes = [1], strides = [1]} : vector<16xf32> to vector<1xf32>
      %squeeze3A_462 = vector.extract %slice3A_461[0] : f32 from vector<1xf32>
      %broadcast_in_dim3A_463 = vector.broadcast %squeeze3A_462 : f32 to vector<16xf32>
      %mul3A_464 = arith.constant -2.000000e+00 : f32
      %mul3A_465 = vector.broadcast %mul3A_464 : f32 to vector<16xf32>
      %mul3A_466 = arith.mulf %broadcast_in_dim3A_463, %mul3A_465 : vector<16xf32>
      %slice3A_467 = vector.extract_strided_slice %bitcast_convert_type3A_107 {offsets = [15], sizes = [1], strides = [1]} : vector<16xf32> to vector<1xf32>
      %squeeze3A_468 = vector.extract %slice3A_467[0] : f32 from vector<1xf32>
      %broadcast_in_dim3A_469 = vector.broadcast %squeeze3A_468 : f32 to vector<16xf32>
      %mul3A_470 = arith.constant -2.000000e+00 : f32
      %mul3A_471 = vector.broadcast %mul3A_470 : f32 to vector<16xf32>
      %mul3A_472 = arith.mulf %broadcast_in_dim3A_469, %mul3A_471 : vector<16xf32>
      %scan3A_473 = arith.constant 0 : i32
      %scan3A_474 = arith.constant 256 : i32
      %scan3A_475 = arith.addi %scan3A_473, %scan3A_474 : i32
      %scan3A_476 = arith.constant 2 : i32
      %scan3A_477:8 = scf.for %scan3A_553 = %scan3A_473 to %scan3A_475 step %scan3A_476 iter_args(%scan3A_554 = %broadcast_in_dim3A_38, %scan3A_555 = %broadcast_in_dim3A_38, %scan3A_556 = %broadcast_in_dim3A_38, %scan3A_557 = %broadcast_in_dim3A_38, %scan3A_558 = %broadcast_in_dim3A_38, %scan3A_559 = %broadcast_in_dim3A_38, %scan3A_560 = %broadcast_in_dim3A_38, %scan3A_561 = %broadcast_in_dim3A_38) -> (vector<16xf32>, vector<16xf32>, vector<16xf32>, vector<16xf32>, vector<16xf32>, vector<16xf32>, vector<16xf32>, vector<16xf32>)  : i32 {
        %mul3A_562 = arith.constant 16 : i32
        %mul3A_563 = arith.muli %scan3A_553, %mul3A_562 : i32
        %multiple_of3A_564 = tpu.assume_multiple %mul3A_563, 16 : i32
        %get3A_565 = arith.index_cast %multiple_of3A_564 : i32 to index
        %get3A_566 = tpu.vector_load %arg10[%get3A_565] {strides = array<i32>} : memref<4096xf32, #tpu.memory_space<vmem>>, vector<16xf32>,
        %get3A_567 = arith.index_cast %multiple_of3A_564 : i32 to index
        %get3A_568 = tpu.vector_load %arg11[%get3A_567] {strides = array<i32>} : memref<4096xf32, #tpu.memory_space<vmem>>, vector<16xf32>,
        %get3A_569 = arith.index_cast %multiple_of3A_564 : i32 to index
        %get3A_570 = tpu.vector_load %arg12[%get3A_569] {strides = array<i32>} : memref<4096xf32, #tpu.memory_space<vmem>>, vector<16xf32>,
        %get3A_571 = arith.index_cast %multiple_of3A_564 : i32 to index
        %get3A_572 = tpu.vector_load %arg13[%get3A_571] {strides = array<i32>} : memref<4096xf32, #tpu.memory_space<vmem>>, vector<16xf32>,
        %mul3A_573 = arith.mulf %mul3A_334, %get3A_566 : vector<16xf32>
        %add3A_574 = arith.addf %get3A_572, %mul3A_573 : vector<16xf32>
        %mul3A_575 = arith.mulf %mul3A_382, %get3A_568 : vector<16xf32>
        %add3A_576 = arith.addf %add3A_574, %mul3A_575 : vector<16xf32>
        %mul3A_577 = arith.mulf %mul3A_430, %get3A_570 : vector<16xf32>
        %add3A_578 = arith.addf %add3A_576, %mul3A_577 : vector<16xf32>
        %min3A = arith.minimumf %scan3A_554, %add3A_578 : vector<16xf32>
        %mul3A_579 = arith.mulf %mul3A_340, %get3A_566 : vector<16xf32>
        %add3A_580 = arith.addf %get3A_572, %mul3A_579 : vector<16xf32>
        %mul3A_581 = arith.mulf %mul3A_388, %get3A_568 : vector<16xf32>
        %add3A_582 = arith.addf %add3A_580, %mul3A_581 : vector<16xf32>
        %mul3A_583 = arith.mulf %mul3A_436, %get3A_570 : vector<16xf32>
        %add3A_584 = arith.addf %add3A_582, %mul3A_583 : vector<16xf32>
        %min3A_585 = arith.minimumf %scan3A_555, %add3A_584 : vector<16xf32>
        %mul3A_586 = arith.mulf %mul3A_346, %get3A_566 : vector<16xf32>
        %add3A_587 = arith.addf %get3A_572, %mul3A_586 : vector<16xf32>
        %mul3A_588 = arith.mulf %mul3A_394, %get3A_568 : vector<16xf32>
        %add3A_589 = arith.addf %add3A_587, %mul3A_588 : vector<16xf32>
        %mul3A_590 = arith.mulf %mul3A_442, %get3A_570 : vector<16xf32>
        %add3A_591 = arith.addf %add3A_589, %mul3A_590 : vector<16xf32>
        %min3A_592 = arith.minimumf %scan3A_556, %add3A_591 : vector<16xf32>
        %mul3A_593 = arith.mulf %mul3A_352, %get3A_566 : vector<16xf32>
        %add3A_594 = arith.addf %get3A_572, %mul3A_593 : vector<16xf32>
        %mul3A_595 = arith.mulf %mul3A_400, %get3A_568 : vector<16xf32>
        %add3A_596 = arith.addf %add3A_594, %mul3A_595 : vector<16xf32>
        %mul3A_597 = arith.mulf %mul3A_448, %get3A_570 : vector<16xf32>
        %add3A_598 = arith.addf %add3A_596, %mul3A_597 : vector<16xf32>
        %min3A_599 = arith.minimumf %scan3A_557, %add3A_598 : vector<16xf32>
        %mul3A_600 = arith.mulf %mul3A_358, %get3A_566 : vector<16xf32>
        %add3A_601 = arith.addf %get3A_572, %mul3A_600 : vector<16xf32>
        %mul3A_602 = arith.mulf %mul3A_406, %get3A_568 : vector<16xf32>
        %add3A_603 = arith.addf %add3A_601, %mul3A_602 : vector<16xf32>
        %mul3A_604 = arith.mulf %mul3A_454, %get3A_570 : vector<16xf32>
        %add3A_605 = arith.addf %add3A_603, %mul3A_604 : vector<16xf32>
        %min3A_606 = arith.minimumf %scan3A_558, %add3A_605 : vector<16xf32>
        %mul3A_607 = arith.mulf %mul3A_364, %get3A_566 : vector<16xf32>
        %add3A_608 = arith.addf %get3A_572, %mul3A_607 : vector<16xf32>
        %mul3A_609 = arith.mulf %mul3A_412, %get3A_568 : vector<16xf32>
        %add3A_610 = arith.addf %add3A_608, %mul3A_609 : vector<16xf32>
        %mul3A_611 = arith.mulf %mul3A_460, %get3A_570 : vector<16xf32>
        %add3A_612 = arith.addf %add3A_610, %mul3A_611 : vector<16xf32>
        %min3A_613 = arith.minimumf %scan3A_559, %add3A_612 : vector<16xf32>
        %mul3A_614 = arith.mulf %mul3A_370, %get3A_566 : vector<16xf32>
        %add3A_615 = arith.addf %get3A_572, %mul3A_614 : vector<16xf32>
        %mul3A_616 = arith.mulf %mul3A_418, %get3A_568 : vector<16xf32>
        %add3A_617 = arith.addf %add3A_615, %mul3A_616 : vector<16xf32>
        %mul3A_618 = arith.mulf %mul3A_466, %get3A_570 : vector<16xf32>
        %add3A_619 = arith.addf %add3A_617, %mul3A_618 : vector<16xf32>
        %min3A_620 = arith.minimumf %scan3A_560, %add3A_619 : vector<16xf32>
        %mul3A_621 = arith.mulf %mul3A_376, %get3A_566 : vector<16xf32>
        %add3A_622 = arith.addf %get3A_572, %mul3A_621 : vector<16xf32>
        %mul3A_623 = arith.mulf %mul3A_424, %get3A_568 : vector<16xf32>
        %add3A_624 = arith.addf %add3A_622, %mul3A_623 : vector<16xf32>
        %mul3A_625 = arith.mulf %mul3A_472, %get3A_570 : vector<16xf32>
        %add3A_626 = arith.addf %add3A_624, %mul3A_625 : vector<16xf32>
        %min3A_627 = arith.minimumf %scan3A_561, %add3A_626 : vector<16xf32>
        %scan3A_628 = arith.constant 1 : i32
        %scan3A_629 = arith.addi %scan3A_553, %scan3A_628 : i32
        %mul3A_630 = arith.constant 16 : i32
        %mul3A_631 = arith.muli %scan3A_629, %mul3A_630 : i32
        %multiple_of3A_632 = tpu.assume_multiple %mul3A_631, 16 : i32
        %get3A_633 = arith.index_cast %multiple_of3A_632 : i32 to index
        %get3A_634 = tpu.vector_load %arg10[%get3A_633] {strides = array<i32>} : memref<4096xf32, #tpu.memory_space<vmem>>, vector<16xf32>,
        %get3A_635 = arith.index_cast %multiple_of3A_632 : i32 to index
        %get3A_636 = tpu.vector_load %arg11[%get3A_635] {strides = array<i32>} : memref<4096xf32, #tpu.memory_space<vmem>>, vector<16xf32>,
        %get3A_637 = arith.index_cast %multiple_of3A_632 : i32 to index
        %get3A_638 = tpu.vector_load %arg12[%get3A_637] {strides = array<i32>} : memref<4096xf32, #tpu.memory_space<vmem>>, vector<16xf32>,
        %get3A_639 = arith.index_cast %multiple_of3A_632 : i32 to index
        %get3A_640 = tpu.vector_load %arg13[%get3A_639] {strides = array<i32>} : memref<4096xf32, #tpu.memory_space<vmem>>, vector<16xf32>,
        %mul3A_641 = arith.mulf %mul3A_334, %get3A_634 : vector<16xf32>
        %add3A_642 = arith.addf %get3A_640, %mul3A_641 : vector<16xf32>
        %mul3A_643 = arith.mulf %mul3A_382, %get3A_636 : vector<16xf32>
        %add3A_644 = arith.addf %add3A_642, %mul3A_643 : vector<16xf32>
        %mul3A_645 = arith.mulf %mul3A_430, %get3A_638 : vector<16xf32>
        %add3A_646 = arith.addf %add3A_644, %mul3A_645 : vector<16xf32>
        %min3A_647 = arith.minimumf %min3A, %add3A_646 : vector<16xf32>
        %mul3A_648 = arith.mulf %mul3A_340, %get3A_634 : vector<16xf32>
        %add3A_649 = arith.addf %get3A_640, %mul3A_648 : vector<16xf32>
        %mul3A_650 = arith.mulf %mul3A_388, %get3A_636 : vector<16xf32>
        %add3A_651 = arith.addf %add3A_649, %mul3A_650 : vector<16xf32>
        %mul3A_652 = arith.mulf %mul3A_436, %get3A_638 : vector<16xf32>
        %add3A_653 = arith.addf %add3A_651, %mul3A_652 : vector<16xf32>
        %min3A_654 = arith.minimumf %min3A_585, %add3A_653 : vector<16xf32>
        %mul3A_655 = arith.mulf %mul3A_346, %get3A_634 : vector<16xf32>
        %add3A_656 = arith.addf %get3A_640, %mul3A_655 : vector<16xf32>
        %mul3A_657 = arith.mulf %mul3A_394, %get3A_636 : vector<16xf32>
        %add3A_658 = arith.addf %add3A_656, %mul3A_657 : vector<16xf32>
        %mul3A_659 = arith.mulf %mul3A_442, %get3A_638 : vector<16xf32>
        %add3A_660 = arith.addf %add3A_658, %mul3A_659 : vector<16xf32>
        %min3A_661 = arith.minimumf %min3A_592, %add3A_660 : vector<16xf32>
        %mul3A_662 = arith.mulf %mul3A_352, %get3A_634 : vector<16xf32>
        %add3A_663 = arith.addf %get3A_640, %mul3A_662 : vector<16xf32>
        %mul3A_664 = arith.mulf %mul3A_400, %get3A_636 : vector<16xf32>
        %add3A_665 = arith.addf %add3A_663, %mul3A_664 : vector<16xf32>
        %mul3A_666 = arith.mulf %mul3A_448, %get3A_638 : vector<16xf32>
        %add3A_667 = arith.addf %add3A_665, %mul3A_666 : vector<16xf32>
        %min3A_668 = arith.minimumf %min3A_599, %add3A_667 : vector<16xf32>
        %mul3A_669 = arith.mulf %mul3A_358, %get3A_634 : vector<16xf32>
        %add3A_670 = arith.addf %get3A_640, %mul3A_669 : vector<16xf32>
        %mul3A_671 = arith.mulf %mul3A_406, %get3A_636 : vector<16xf32>
        %add3A_672 = arith.addf %add3A_670, %mul3A_671 : vector<16xf32>
        %mul3A_673 = arith.mulf %mul3A_454, %get3A_638 : vector<16xf32>
        %add3A_674 = arith.addf %add3A_672, %mul3A_673 : vector<16xf32>
        %min3A_675 = arith.minimumf %min3A_606, %add3A_674 : vector<16xf32>
        %mul3A_676 = arith.mulf %mul3A_364, %get3A_634 : vector<16xf32>
        %add3A_677 = arith.addf %get3A_640, %mul3A_676 : vector<16xf32>
        %mul3A_678 = arith.mulf %mul3A_412, %get3A_636 : vector<16xf32>
        %add3A_679 = arith.addf %add3A_677, %mul3A_678 : vector<16xf32>
        %mul3A_680 = arith.mulf %mul3A_460, %get3A_638 : vector<16xf32>
        %add3A_681 = arith.addf %add3A_679, %mul3A_680 : vector<16xf32>
        %min3A_682 = arith.minimumf %min3A_613, %add3A_681 : vector<16xf32>
        %mul3A_683 = arith.mulf %mul3A_370, %get3A_634 : vector<16xf32>
        %add3A_684 = arith.addf %get3A_640, %mul3A_683 : vector<16xf32>
        %mul3A_685 = arith.mulf %mul3A_418, %get3A_636 : vector<16xf32>
        %add3A_686 = arith.addf %add3A_684, %mul3A_685 : vector<16xf32>
        %mul3A_687 = arith.mulf %mul3A_466, %get3A_638 : vector<16xf32>
        %add3A_688 = arith.addf %add3A_686, %mul3A_687 : vector<16xf32>
        %min3A_689 = arith.minimumf %min3A_620, %add3A_688 : vector<16xf32>
        %mul3A_690 = arith.mulf %mul3A_376, %get3A_634 : vector<16xf32>
        %add3A_691 = arith.addf %get3A_640, %mul3A_690 : vector<16xf32>
        %mul3A_692 = arith.mulf %mul3A_424, %get3A_636 : vector<16xf32>
        %add3A_693 = arith.addf %add3A_691, %mul3A_692 : vector<16xf32>
        %mul3A_694 = arith.mulf %mul3A_472, %get3A_638 : vector<16xf32>
        %add3A_695 = arith.addf %add3A_693, %mul3A_694 : vector<16xf32>
        %min3A_696 = arith.minimumf %min3A_627, %add3A_695 : vector<16xf32>
        scf.yield %min3A_647, %min3A_654, %min3A_661, %min3A_668, %min3A_675, %min3A_682, %min3A_689, %min3A_696 : vector<16xf32>, vector<16xf32>, vector<16xf32>, vector<16xf32>, vector<16xf32>, vector<16xf32>, vector<16xf32>, vector<16xf32>
      }
      %scan3A_478 = arith.constant 256 : i32
      %reduce_min3A_479 = arith.constant true
      %reduce_min3A_480 = vector.broadcast %reduce_min3A_479 : i1 to vector<16xi1>
      %reduce_min3A_481 = tpu.scan <min>, %scan3A_477#0 masked %reduce_min3A_480 : vector<16xf32>, vector<16xi1> -> vector<16xf32>
      %reduce_min3A_482 = vector.extract %reduce_min3A_481[15] : f32 from vector<16xf32>
      %eq3A_483 = arith.constant 8 : i32
      %eq3A_484 = vector.broadcast %eq3A_483 : i32 to vector<16xi32>
      %eq3A_485 = arith.cmpi eq, %iota3A, %eq3A_484 : vector<16xi32>
      %broadcast_in_dim3A_486 = vector.broadcast %reduce_min3A_482 : f32 to vector<16xf32>
      %select_n3A_487 = arith.select %eq3A_485, %broadcast_in_dim3A_486, %select_n3A_328 : vector<16xi1>, vector<16xf32>
      %reduce_min3A_488 = arith.constant true
      %reduce_min3A_489 = vector.broadcast %reduce_min3A_488 : i1 to vector<16xi1>
      %reduce_min3A_490 = tpu.scan <min>, %scan3A_477#1 masked %reduce_min3A_489 : vector<16xf32>, vector<16xi1> -> vector<16xf32>
      %reduce_min3A_491 = vector.extract %reduce_min3A_490[15] : f32 from vector<16xf32>
      %eq3A_492 = arith.constant 9 : i32
      %eq3A_493 = vector.broadcast %eq3A_492 : i32 to vector<16xi32>
      %eq3A_494 = arith.cmpi eq, %iota3A, %eq3A_493 : vector<16xi32>
      %broadcast_in_dim3A_495 = vector.broadcast %reduce_min3A_491 : f32 to vector<16xf32>
      %select_n3A_496 = arith.select %eq3A_494, %broadcast_in_dim3A_495, %select_n3A_487 : vector<16xi1>, vector<16xf32>
      %reduce_min3A_497 = arith.constant true
      %reduce_min3A_498 = vector.broadcast %reduce_min3A_497 : i1 to vector<16xi1>
      %reduce_min3A_499 = tpu.scan <min>, %scan3A_477#2 masked %reduce_min3A_498 : vector<16xf32>, vector<16xi1> -> vector<16xf32>
      %reduce_min3A_500 = vector.extract %reduce_min3A_499[15] : f32 from vector<16xf32>
      %eq3A_501 = arith.constant 10 : i32
      %eq3A_502 = vector.broadcast %eq3A_501 : i32 to vector<16xi32>
      %eq3A_503 = arith.cmpi eq, %iota3A, %eq3A_502 : vector<16xi32>
      %broadcast_in_dim3A_504 = vector.broadcast %reduce_min3A_500 : f32 to vector<16xf32>
      %select_n3A_505 = arith.select %eq3A_503, %broadcast_in_dim3A_504, %select_n3A_496 : vector<16xi1>, vector<16xf32>
      %reduce_min3A_506 = arith.constant true
      %reduce_min3A_507 = vector.broadcast %reduce_min3A_506 : i1 to vector<16xi1>
      %reduce_min3A_508 = tpu.scan <min>, %scan3A_477#3 masked %reduce_min3A_507 : vector<16xf32>, vector<16xi1> -> vector<16xf32>
      %reduce_min3A_509 = vector.extract %reduce_min3A_508[15] : f32 from vector<16xf32>
      %eq3A_510 = arith.constant 11 : i32
      %eq3A_511 = vector.broadcast %eq3A_510 : i32 to vector<16xi32>
      %eq3A_512 = arith.cmpi eq, %iota3A, %eq3A_511 : vector<16xi32>
      %broadcast_in_dim3A_513 = vector.broadcast %reduce_min3A_509 : f32 to vector<16xf32>
      %select_n3A_514 = arith.select %eq3A_512, %broadcast_in_dim3A_513, %select_n3A_505 : vector<16xi1>, vector<16xf32>
      %reduce_min3A_515 = arith.constant true
      %reduce_min3A_516 = vector.broadcast %reduce_min3A_515 : i1 to vector<16xi1>
      %reduce_min3A_517 = tpu.scan <min>, %scan3A_477#4 masked %reduce_min3A_516 : vector<16xf32>, vector<16xi1> -> vector<16xf32>
      %reduce_min3A_518 = vector.extract %reduce_min3A_517[15] : f32 from vector<16xf32>
      %eq3A_519 = arith.constant 12 : i32
      %eq3A_520 = vector.broadcast %eq3A_519 : i32 to vector<16xi32>
      %eq3A_521 = arith.cmpi eq, %iota3A, %eq3A_520 : vector<16xi32>
      %broadcast_in_dim3A_522 = vector.broadcast %reduce_min3A_518 : f32 to vector<16xf32>
      %select_n3A_523 = arith.select %eq3A_521, %broadcast_in_dim3A_522, %select_n3A_514 : vector<16xi1>, vector<16xf32>
      %reduce_min3A_524 = arith.constant true
      %reduce_min3A_525 = vector.broadcast %reduce_min3A_524 : i1 to vector<16xi1>
      %reduce_min3A_526 = tpu.scan <min>, %scan3A_477#5 masked %reduce_min3A_525 : vector<16xf32>, vector<16xi1> -> vector<16xf32>
      %reduce_min3A_527 = vector.extract %reduce_min3A_526[15] : f32 from vector<16xf32>
      %eq3A_528 = arith.constant 13 : i32
      %eq3A_529 = vector.broadcast %eq3A_528 : i32 to vector<16xi32>
      %eq3A_530 = arith.cmpi eq, %iota3A, %eq3A_529 : vector<16xi32>
      %broadcast_in_dim3A_531 = vector.broadcast %reduce_min3A_527 : f32 to vector<16xf32>
      %select_n3A_532 = arith.select %eq3A_530, %broadcast_in_dim3A_531, %select_n3A_523 : vector<16xi1>, vector<16xf32>
      %reduce_min3A_533 = arith.constant true
      %reduce_min3A_534 = vector.broadcast %reduce_min3A_533 : i1 to vector<16xi1>
      %reduce_min3A_535 = tpu.scan <min>, %scan3A_477#6 masked %reduce_min3A_534 : vector<16xf32>, vector<16xi1> -> vector<16xf32>
      %reduce_min3A_536 = vector.extract %reduce_min3A_535[15] : f32 from vector<16xf32>
      %eq3A_537 = arith.constant 14 : i32
      %eq3A_538 = vector.broadcast %eq3A_537 : i32 to vector<16xi32>
      %eq3A_539 = arith.cmpi eq, %iota3A, %eq3A_538 : vector<16xi32>
      %broadcast_in_dim3A_540 = vector.broadcast %reduce_min3A_536 : f32 to vector<16xf32>
      %select_n3A_541 = arith.select %eq3A_539, %broadcast_in_dim3A_540, %select_n3A_532 : vector<16xi1>, vector<16xf32>
      %reduce_min3A_542 = arith.constant true
      %reduce_min3A_543 = vector.broadcast %reduce_min3A_542 : i1 to vector<16xi1>
      %reduce_min3A_544 = tpu.scan <min>, %scan3A_477#7 masked %reduce_min3A_543 : vector<16xf32>, vector<16xi1> -> vector<16xf32>
      %reduce_min3A_545 = vector.extract %reduce_min3A_544[15] : f32 from vector<16xf32>
      %eq3A_546 = arith.constant 15 : i32
      %eq3A_547 = vector.broadcast %eq3A_546 : i32 to vector<16xi32>
      %eq3A_548 = arith.cmpi eq, %iota3A, %eq3A_547 : vector<16xi32>
      %broadcast_in_dim3A_549 = vector.broadcast %reduce_min3A_545 : f32 to vector<16xf32>
      %select_n3A_550 = arith.select %eq3A_548, %broadcast_in_dim3A_549, %select_n3A_541 : vector<16xi1>, vector<16xf32>
      %swap3A_551 = arith.index_cast %multiple_of3A : i32 to index
      %swap3A_552 = tpu.vector_load %arg17[%swap3A_551] {strides = array<i32>} : memref<512xf32, #tpu.memory_space<vmem>>, vector<16xf32>,
      tpu.vector_store %arg17[%swap3A_551], %select_n3A_550 {strides = array<i32>} : memref<512xf32, #tpu.memory_space<vmem>>, vector<16xf32>,
    }
    %scan3A_44 = arith.constant 32 : i32
    %broadcast_in_dim3A_45 = arith.constant 0.000000e+00 : f32
    %broadcast_in_dim3A_46 = vector.broadcast %broadcast_in_dim3A_45 : f32 to vector<16xf32>
    %scan3A_47 = arith.constant 0 : i32
    %scan3A_48 = arith.constant 32 : i32
    %scan3A_49 = arith.addi %scan3A_47, %scan3A_48 : i32
    %scan3A_50 = arith.constant 4 : i32
    %scan3A_51 = scf.for %scan3A_57 = %scan3A_47 to %scan3A_49 step %scan3A_50 iter_args(%scan3A_58 = %broadcast_in_dim3A_46) -> (vector<16xf32>)  : i32 {
      %mul3A_59 = arith.constant 16 : i32
      %mul3A_60 = arith.muli %scan3A_57, %mul3A_59 : i32
      %multiple_of3A = tpu.assume_multiple %mul3A_60, 16 : i32
      %get3A = arith.index_cast %multiple_of3A : i32 to index
      %get3A_61 = tpu.vector_load %arg17[%get3A] {strides = array<i32>} : memref<512xf32, #tpu.memory_space<vmem>>, vector<16xf32>,
      %get3A_62 = arith.index_cast %multiple_of3A : i32 to index
      %get3A_63 = tpu.vector_load %arg14[%get3A_62] {strides = array<i32>} : memref<512xf32, #tpu.memory_space<vmem>>, vector<16xf32>,
      %get3A_64 = arith.index_cast %multiple_of3A : i32 to index
      %get3A_65 = tpu.vector_load %arg15[%get3A_64] {strides = array<i32>} : memref<512xf32, #tpu.memory_space<vmem>>, vector<16xf32>,
      %get3A_66 = arith.index_cast %multiple_of3A : i32 to index
      %get3A_67 = tpu.vector_load %arg16[%get3A_66] {strides = array<i32>} : memref<512xf32, #tpu.memory_space<vmem>>, vector<16xf32>,
      %mul3A_68 = arith.mulf %get3A_63, %get3A_63 : vector<16xf32>
      %add3A_69 = arith.addf %get3A_61, %mul3A_68 : vector<16xf32>
      %mul3A_70 = arith.mulf %get3A_65, %get3A_65 : vector<16xf32>
      %add3A_71 = arith.addf %add3A_69, %mul3A_70 : vector<16xf32>
      %mul3A_72 = arith.mulf %get3A_67, %get3A_67 : vector<16xf32>
      %add3A_73 = arith.addf %add3A_71, %mul3A_72 : vector<16xf32>
      %max3A = arith.constant 0.000000e+00 : f32
      %max3A_74 = vector.broadcast %max3A : f32 to vector<16xf32>
      %max3A_75 = arith.maximumf %add3A_73, %max3A_74 : vector<16xf32>
      %add3A_76 = arith.addf %scan3A_58, %max3A_75 : vector<16xf32>
      %scan3A_77 = arith.constant 1 : i32
      %scan3A_78 = arith.addi %scan3A_57, %scan3A_77 : i32
      %mul3A_79 = arith.constant 16 : i32
      %mul3A_80 = arith.muli %scan3A_78, %mul3A_79 : i32
      %multiple_of3A_81 = tpu.assume_multiple %mul3A_80, 16 : i32
      %get3A_82 = arith.index_cast %multiple_of3A_81 : i32 to index
      %get3A_83 = tpu.vector_load %arg17[%get3A_82] {strides = array<i32>} : memref<512xf32, #tpu.memory_space<vmem>>, vector<16xf32>,
      %get3A_84 = arith.index_cast %multiple_of3A_81 : i32 to index
      %get3A_85 = tpu.vector_load %arg14[%get3A_84] {strides = array<i32>} : memref<512xf32, #tpu.memory_space<vmem>>, vector<16xf32>,
      %get3A_86 = arith.index_cast %multiple_of3A_81 : i32 to index
      %get3A_87 = tpu.vector_load %arg15[%get3A_86] {strides = array<i32>} : memref<512xf32, #tpu.memory_space<vmem>>, vector<16xf32>,
      %get3A_88 = arith.index_cast %multiple_of3A_81 : i32 to index
      %get3A_89 = tpu.vector_load %arg16[%get3A_88] {strides = array<i32>} : memref<512xf32, #tpu.memory_space<vmem>>, vector<16xf32>,
      %mul3A_90 = arith.mulf %get3A_85, %get3A_85 : vector<16xf32>
      %add3A_91 = arith.addf %get3A_83, %mul3A_90 : vector<16xf32>
      %mul3A_92 = arith.mulf %get3A_87, %get3A_87 : vector<16xf32>
      %add3A_93 = arith.addf %add3A_91, %mul3A_92 : vector<16xf32>
      %mul3A_94 = arith.mulf %get3A_89, %get3A_89 : vector<16xf32>
      %add3A_95 = arith.addf %add3A_93, %mul3A_94 : vector<16xf32>
      %max3A_96 = arith.constant 0.000000e+00 : f32
      %max3A_97 = vector.broadcast %max3A_96 : f32 to vector<16xf32>
      %max3A_98 = arith.maximumf %add3A_95, %max3A_97 : vector<16xf32>
      %add3A_99 = arith.addf %add3A_76, %max3A_98 : vector<16xf32>
      %scan3A_100 = arith.constant 2 : i32
      %scan3A_101 = arith.addi %scan3A_57, %scan3A_100 : i32
      %mul3A_102 = arith.constant 16 : i32
      %mul3A_103 = arith.muli %scan3A_101, %mul3A_102 : i32
      %multiple_of3A_104 = tpu.assume_multiple %mul3A_103, 16 : i32
      %get3A_105 = arith.index_cast %multiple_of3A_104 : i32 to index
      %get3A_106 = tpu.vector_load %arg17[%get3A_105] {strides = array<i32>} : memref<512xf32, #tpu.memory_space<vmem>>, vector<16xf32>,
      %get3A_107 = arith.index_cast %multiple_of3A_104 : i32 to index
      %get3A_108 = tpu.vector_load %arg14[%get3A_107] {strides = array<i32>} : memref<512xf32, #tpu.memory_space<vmem>>, vector<16xf32>,
      %get3A_109 = arith.index_cast %multiple_of3A_104 : i32 to index
      %get3A_110 = tpu.vector_load %arg15[%get3A_109] {strides = array<i32>} : memref<512xf32, #tpu.memory_space<vmem>>, vector<16xf32>,
      %get3A_111 = arith.index_cast %multiple_of3A_104 : i32 to index
      %get3A_112 = tpu.vector_load %arg16[%get3A_111] {strides = array<i32>} : memref<512xf32, #tpu.memory_space<vmem>>, vector<16xf32>,
      %mul3A_113 = arith.mulf %get3A_108, %get3A_108 : vector<16xf32>
      %add3A_114 = arith.addf %get3A_106, %mul3A_113 : vector<16xf32>
      %mul3A_115 = arith.mulf %get3A_110, %get3A_110 : vector<16xf32>
      %add3A_116 = arith.addf %add3A_114, %mul3A_115 : vector<16xf32>
      %mul3A_117 = arith.mulf %get3A_112, %get3A_112 : vector<16xf32>
      %add3A_118 = arith.addf %add3A_116, %mul3A_117 : vector<16xf32>
      %max3A_119 = arith.constant 0.000000e+00 : f32
      %max3A_120 = vector.broadcast %max3A_119 : f32 to vector<16xf32>
      %max3A_121 = arith.maximumf %add3A_118, %max3A_120 : vector<16xf32>
      %add3A_122 = arith.addf %add3A_99, %max3A_121 : vector<16xf32>
      %scan3A_123 = arith.constant 3 : i32
      %scan3A_124 = arith.addi %scan3A_57, %scan3A_123 : i32
      %mul3A_125 = arith.constant 16 : i32
      %mul3A_126 = arith.muli %scan3A_124, %mul3A_125 : i32
      %multiple_of3A_127 = tpu.assume_multiple %mul3A_126, 16 : i32
      %get3A_128 = arith.index_cast %multiple_of3A_127 : i32 to index
      %get3A_129 = tpu.vector_load %arg17[%get3A_128] {strides = array<i32>} : memref<512xf32, #tpu.memory_space<vmem>>, vector<16xf32>,
      %get3A_130 = arith.index_cast %multiple_of3A_127 : i32 to index
      %get3A_131 = tpu.vector_load %arg14[%get3A_130] {strides = array<i32>} : memref<512xf32, #tpu.memory_space<vmem>>, vector<16xf32>,
      %get3A_132 = arith.index_cast %multiple_of3A_127 : i32 to index
      %get3A_133 = tpu.vector_load %arg15[%get3A_132] {strides = array<i32>} : memref<512xf32, #tpu.memory_space<vmem>>, vector<16xf32>,
      %get3A_134 = arith.index_cast %multiple_of3A_127 : i32 to index
      %get3A_135 = tpu.vector_load %arg16[%get3A_134] {strides = array<i32>} : memref<512xf32, #tpu.memory_space<vmem>>, vector<16xf32>,
      %mul3A_136 = arith.mulf %get3A_131, %get3A_131 : vector<16xf32>
      %add3A_137 = arith.addf %get3A_129, %mul3A_136 : vector<16xf32>
      %mul3A_138 = arith.mulf %get3A_133, %get3A_133 : vector<16xf32>
      %add3A_139 = arith.addf %add3A_137, %mul3A_138 : vector<16xf32>
      %mul3A_140 = arith.mulf %get3A_135, %get3A_135 : vector<16xf32>
      %add3A_141 = arith.addf %add3A_139, %mul3A_140 : vector<16xf32>
      %max3A_142 = arith.constant 0.000000e+00 : f32
      %max3A_143 = vector.broadcast %max3A_142 : f32 to vector<16xf32>
      %max3A_144 = arith.maximumf %add3A_141, %max3A_143 : vector<16xf32>
      %add3A_145 = arith.addf %add3A_122, %max3A_144 : vector<16xf32>
      scf.yield %add3A_145 : vector<16xf32>
    }
    %scan3A_52 = arith.constant 32 : i32
    %swap3A = arith.constant 0 : index
    %swap3A_53 = tpu.vector_load %arg18[%swap3A] {strides = array<i32>} : memref<16xf32, #tpu.memory_space<vmem>>, vector<16xf32>,
    tpu.vector_store %arg18[%swap3A], %scan3A_51 {strides = array<i32>} : memref<16xf32, #tpu.memory_space<vmem>>, vector<16xf32>,
    "tpu.region"() ({
      %run_scoped3A = tpu.sem_alloc : memref<!tpu.dma_semaphore, #tpu.memory_space<semaphore_mem>>
      %dma_start3A = arith.constant 0 : i32
      %dma_start3A_57 = tpu.memref_slice %arg9[%arg0, %arg1, %dma_start3A] : memref<2x16x16xf32, #tpu.memory_space<hbm>> -> memref<1x1x16xf32, #tpu.memory_space<hbm>>
      %dma_start3A_58 = tpu.memref_squeeze %dma_start3A_57 : memref<1x1x16xf32, #tpu.memory_space<hbm>> -> memref<16xf32, #tpu.memory_space<hbm>>
      %dma_start3A_59 = arith.constant 0 : i32
      %dma_start3A_60 = tpu.memref_slice %arg9[%arg0, %arg1, %dma_start3A_59] : memref<2x16x16xf32, #tpu.memory_space<hbm>> -> memref<1x1x16xf32, #tpu.memory_space<hbm>>
      %dma_start3A_61 = tpu.memref_squeeze %dma_start3A_60 : memref<1x1x16xf32, #tpu.memory_space<hbm>> -> memref<16xf32, #tpu.memory_space<hbm>>
      tpu.enqueue_dma source(%arg18 : memref<16xf32, #tpu.memory_space<vmem>>) target(%dma_start3A_61 : memref<16xf32, #tpu.memory_space<hbm>>) target_semaphore(%run_scoped3A : memref<!tpu.dma_semaphore, #tpu.memory_space<semaphore_mem>>)
      %dma_wait3A = arith.constant 0 : i32
      %dma_wait3A_62 = tpu.memref_slice %arg9[%arg0, %arg1, %dma_wait3A] : memref<2x16x16xf32, #tpu.memory_space<hbm>> -> memref<1x1x16xf32, #tpu.memory_space<hbm>>
      %dma_wait3A_63 = tpu.memref_squeeze %dma_wait3A_62 : memref<1x1x16xf32, #tpu.memory_space<hbm>> -> memref<16xf32, #tpu.memory_space<hbm>>
      %dma_wait3A_64 = arith.constant 0 : i32
      %dma_wait3A_65 = tpu.memref_slice %arg9[%arg0, %arg1, %dma_wait3A_64] : memref<2x16x16xf32, #tpu.memory_space<hbm>> -> memref<1x1x16xf32, #tpu.memory_space<hbm>>
      %dma_wait3A_66 = tpu.memref_squeeze %dma_wait3A_65 : memref<1x1x16xf32, #tpu.memory_space<hbm>> -> memref<16xf32, #tpu.memory_space<hbm>>
      tpu.wait_dma2 semaphore(%run_scoped3A : memref<!tpu.dma_semaphore, #tpu.memory_space<semaphore_mem>>) src(%arg18 : memref<16xf32, #tpu.memory_space<vmem>>) dst(%dma_wait3A_66 : memref<16xf32, #tpu.memory_space<hbm>>)
      tpu.yield
    }) : () -> ()
    %barrier3A = arith.constant 0 : index
    tpu.barrier barrier_id(%barrier3A)
    %eq3A_54 = arith.constant 0 : i32
    %eq3A_55 = arith.cmpi eq, %select_n3A_30, %eq3A_54 : i32
    %convert_element_type3A = arith.extui %eq3A_55 : i1 to i32
    %cond3A = arith.constant 0 : i32
    %cond3A_56 = arith.cmpi ne, %convert_element_type3A, %cond3A : i32
    scf.if %cond3A_56 {
      %jit3A_57 = arith.constant 8 : i32
      %div3A_58 = arith.divsi %arg1, %jit3A_57 : i32
      %sign3A_59 = arith.constant 0 : i32
      %sign3A_60 = arith.cmpi sgt, %arg1, %sign3A_59 : i32
      %sign3A_61 = arith.extui %sign3A_60 : i1 to i32
      %sign3A_62 = arith.constant 0 : i32
      %sign3A_63 = arith.cmpi slt, %arg1, %sign3A_62 : i32
      %sign3A_64 = arith.extui %sign3A_63 : i1 to i32
      %sign3A_65 = arith.subi %sign3A_61, %sign3A_64 : i32
      %sign3A_66 = arith.constant 0 : i32
      %sign3A_67 = arith.cmpi sgt, %jit3A_57, %sign3A_66 : i32
      %sign3A_68 = arith.extui %sign3A_67 : i1 to i32
      %sign3A_69 = arith.constant 0 : i32
      %sign3A_70 = arith.cmpi slt, %jit3A_57, %sign3A_69 : i32
      %sign3A_71 = arith.extui %sign3A_70 : i1 to i32
      %sign3A_72 = arith.subi %sign3A_68, %sign3A_71 : i32
      %ne3A_73 = arith.cmpi ne, %sign3A_65, %sign3A_72 : i32
      %rem3A_74 = arith.remsi %arg1, %jit3A_57 : i32
      %ne3A_75 = arith.constant 0 : i32
      %ne3A_76 = arith.cmpi ne, %rem3A_74, %ne3A_75 : i32
      %and3A_77 = arith.andi %ne3A_73, %ne3A_76 : i1
      %sub3A_78 = arith.constant 1 : i32
      %sub3A_79 = arith.subi %div3A_58, %sub3A_78 : i32
      %select_n3A_80 = arith.select %and3A_77, %sub3A_79, %div3A_58 : i32
      %mul3A_81 = arith.constant 8 : i32
      %mul3A_82 = arith.muli %select_n3A_80, %mul3A_81 : i32
      %multiple_of3A = tpu.assume_multiple %mul3A_82, 8 : i32
      "tpu.region"() ({
        %run_scoped3A = tpu.sem_alloc : memref<!tpu.dma_semaphore, #tpu.memory_space<semaphore_mem>>
        %dma_start3A = arith.constant 0 : i32
        %dma_start3A_130 = tpu.memref_slice %arg9[%arg0, %multiple_of3A, %dma_start3A] : memref<2x16x16xf32, #tpu.memory_space<hbm>> -> memref<1x8x16xf32, #tpu.memory_space<hbm>>
        %dma_start3A_131 = tpu.memref_squeeze %dma_start3A_130 : memref<1x8x16xf32, #tpu.memory_space<hbm>> -> memref<8x16xf32, #tpu.memory_space<hbm>>
        %dma_start3A_132 = arith.constant 0 : i32
        %dma_start3A_133 = tpu.memref_slice %arg9[%arg0, %multiple_of3A, %dma_start3A_132] : memref<2x16x16xf32, #tpu.memory_space<hbm>> -> memref<1x8x16xf32, #tpu.memory_space<hbm>>
        %dma_start3A_134 = tpu.memref_squeeze %dma_start3A_133 : memref<1x8x16xf32, #tpu.memory_space<hbm>> -> memref<8x16xf32, #tpu.memory_space<hbm>>
        tpu.enqueue_dma source(%dma_start3A_134 : memref<8x16xf32, #tpu.memory_space<hbm>>) target(%arg19 : memref<8x16xf32, #tpu.memory_space<vmem>>) target_semaphore(%run_scoped3A : memref<!tpu.dma_semaphore, #tpu.memory_space<semaphore_mem>>)
        %dma_wait3A = arith.constant 0 : i32
        %dma_wait3A_135 = tpu.memref_slice %arg9[%arg0, %multiple_of3A, %dma_wait3A] : memref<2x16x16xf32, #tpu.memory_space<hbm>> -> memref<1x8x16xf32, #tpu.memory_space<hbm>>
        %dma_wait3A_136 = tpu.memref_squeeze %dma_wait3A_135 : memref<1x8x16xf32, #tpu.memory_space<hbm>> -> memref<8x16xf32, #tpu.memory_space<hbm>>
        %dma_wait3A_137 = arith.constant 0 : i32
        %dma_wait3A_138 = tpu.memref_slice %arg9[%arg0, %multiple_of3A, %dma_wait3A_137] : memref<2x16x16xf32, #tpu.memory_space<hbm>> -> memref<1x8x16xf32, #tpu.memory_space<hbm>>
        %dma_wait3A_139 = tpu.memref_squeeze %dma_wait3A_138 : memref<1x8x16xf32, #tpu.memory_space<hbm>> -> memref<8x16xf32, #tpu.memory_space<hbm>>
        tpu.wait_dma2 semaphore(%run_scoped3A : memref<!tpu.dma_semaphore, #tpu.memory_space<semaphore_mem>>) src(%dma_wait3A_139 : memref<8x16xf32, #tpu.memory_space<hbm>>) dst(%arg19 : memref<8x16xf32, #tpu.memory_space<vmem>>)
        tpu.yield
      }) : () -> ()
      %get3A = arith.constant 0 : i32
      %get3A_83 = arith.index_cast %get3A : i32 to index
      %get3A_84 = arith.constant 0 : index
      %get3A_85 = tpu.vector_load %arg19[%get3A_83, %get3A_84] {strides = array<i32>} : memref<8x16xf32, #tpu.memory_space<vmem>>, vector<16xf32>,
      %get3A_86 = arith.constant 1 : i32
      %get3A_87 = arith.index_cast %get3A_86 : i32 to index
      %get3A_88 = arith.constant 0 : index
      %get3A_89 = tpu.vector_load %arg19[%get3A_87, %get3A_88] {strides = array<i32>} : memref<8x16xf32, #tpu.memory_space<vmem>>, vector<16xf32>,
      %add3A_90 = arith.addf %get3A_85, %get3A_89 : vector<16xf32>
      %get3A_91 = arith.constant 2 : i32
      %get3A_92 = arith.index_cast %get3A_91 : i32 to index
      %get3A_93 = arith.constant 0 : index
      %get3A_94 = tpu.vector_load %arg19[%get3A_92, %get3A_93] {strides = array<i32>} : memref<8x16xf32, #tpu.memory_space<vmem>>, vector<16xf32>,
      %add3A_95 = arith.addf %add3A_90, %get3A_94 : vector<16xf32>
      %get3A_96 = arith.constant 3 : i32
      %get3A_97 = arith.index_cast %get3A_96 : i32 to index
      %get3A_98 = arith.constant 0 : index
      %get3A_99 = tpu.vector_load %arg19[%get3A_97, %get3A_98] {strides = array<i32>} : memref<8x16xf32, #tpu.memory_space<vmem>>, vector<16xf32>,
      %add3A_100 = arith.addf %add3A_95, %get3A_99 : vector<16xf32>
      %get3A_101 = arith.constant 4 : i32
      %get3A_102 = arith.index_cast %get3A_101 : i32 to index
      %get3A_103 = arith.constant 0 : index
      %get3A_104 = tpu.vector_load %arg19[%get3A_102, %get3A_103] {strides = array<i32>} : memref<8x16xf32, #tpu.memory_space<vmem>>, vector<16xf32>,
      %add3A_105 = arith.addf %add3A_100, %get3A_104 : vector<16xf32>
      %get3A_106 = arith.constant 5 : i32
      %get3A_107 = arith.index_cast %get3A_106 : i32 to index
      %get3A_108 = arith.constant 0 : index
      %get3A_109 = tpu.vector_load %arg19[%get3A_107, %get3A_108] {strides = array<i32>} : memref<8x16xf32, #tpu.memory_space<vmem>>, vector<16xf32>,
      %add3A_110 = arith.addf %add3A_105, %get3A_109 : vector<16xf32>
      %get3A_111 = arith.constant 6 : i32
      %get3A_112 = arith.index_cast %get3A_111 : i32 to index
      %get3A_113 = arith.constant 0 : index
      %get3A_114 = tpu.vector_load %arg19[%get3A_112, %get3A_113] {strides = array<i32>} : memref<8x16xf32, #tpu.memory_space<vmem>>, vector<16xf32>,
      %add3A_115 = arith.addf %add3A_110, %get3A_114 : vector<16xf32>
      %get3A_116 = arith.constant 7 : i32
      %get3A_117 = arith.index_cast %get3A_116 : i32 to index
      %get3A_118 = arith.constant 0 : index
      %get3A_119 = tpu.vector_load %arg19[%get3A_117, %get3A_118] {strides = array<i32>} : memref<8x16xf32, #tpu.memory_space<vmem>>, vector<16xf32>,
      %add3A_120 = arith.addf %add3A_115, %get3A_119 : vector<16xf32>
      %mul3A_121 = arith.constant 2.44140625E-4 : f32
      %mul3A_122 = vector.broadcast %mul3A_121 : f32 to vector<16xf32>
      %mul3A_123 = arith.mulf %add3A_120, %mul3A_122 : vector<16xf32>
      %reduce_sum3A = arith.constant true
      %reduce_sum3A_124 = vector.broadcast %reduce_sum3A : i1 to vector<16xi1>
      %reduce_sum3A_125 = tpu.scan <sum>, %mul3A_123 masked %reduce_sum3A_124 : vector<16xf32>, vector<16xi1> -> vector<16xf32>
      %reduce_sum3A_126 = vector.extract %reduce_sum3A_125[15] : f32 from vector<16xf32>
      %broadcast_in_dim3A_127 = vector.broadcast %reduce_sum3A_126 : f32 to vector<16xf32>
      %swap3A_128 = arith.constant 0 : index
      %swap3A_129 = tpu.vector_load %arg20[%swap3A_128] {strides = array<i32>} : memref<16xf32, #tpu.memory_space<vmem>>, vector<16xf32>,
      tpu.vector_store %arg20[%swap3A_128], %broadcast_in_dim3A_127 {strides = array<i32>} : memref<16xf32, #tpu.memory_space<vmem>>, vector<16xf32>,
      "tpu.region"() ({
        %run_scoped3A = tpu.sem_alloc : memref<!tpu.dma_semaphore, #tpu.memory_space<semaphore_mem>>
        %dma_start3A = arith.constant 0 : i32
        %dma_start3A_130 = tpu.memref_slice %arg8[%add3A, %dma_start3A] : memref<4x16xf32, #tpu.memory_space<hbm>> -> memref<1x16xf32, #tpu.memory_space<hbm>>
        %dma_start3A_131 = tpu.memref_squeeze %dma_start3A_130 : memref<1x16xf32, #tpu.memory_space<hbm>> -> memref<16xf32, #tpu.memory_space<hbm>>
        %dma_start3A_132 = arith.constant 0 : i32
        %dma_start3A_133 = tpu.memref_slice %arg8[%add3A, %dma_start3A_132] : memref<4x16xf32, #tpu.memory_space<hbm>> -> memref<1x16xf32, #tpu.memory_space<hbm>>
        %dma_start3A_134 = tpu.memref_squeeze %dma_start3A_133 : memref<1x16xf32, #tpu.memory_space<hbm>> -> memref<16xf32, #tpu.memory_space<hbm>>
        tpu.enqueue_dma source(%arg20 : memref<16xf32, #tpu.memory_space<vmem>>) target(%dma_start3A_134 : memref<16xf32, #tpu.memory_space<hbm>>) target_semaphore(%run_scoped3A : memref<!tpu.dma_semaphore, #tpu.memory_space<semaphore_mem>>)
        %dma_wait3A = arith.constant 0 : i32
        %dma_wait3A_135 = tpu.memref_slice %arg8[%add3A, %dma_wait3A] : memref<4x16xf32, #tpu.memory_space<hbm>> -> memref<1x16xf32, #tpu.memory_space<hbm>>
        %dma_wait3A_136 = tpu.memref_squeeze %dma_wait3A_135 : memref<1x16xf32, #tpu.memory_space<hbm>> -> memref<16xf32, #tpu.memory_space<hbm>>
        %dma_wait3A_137 = arith.constant 0 : i32
        %dma_wait3A_138 = tpu.memref_slice %arg8[%add3A, %dma_wait3A_137] : memref<4x16xf32, #tpu.memory_space<hbm>> -> memref<1x16xf32, #tpu.memory_space<hbm>>
        %dma_wait3A_139 = tpu.memref_squeeze %dma_wait3A_138 : memref<1x16xf32, #tpu.memory_space<hbm>> -> memref<16xf32, #tpu.memory_space<hbm>>
        tpu.wait_dma2 semaphore(%run_scoped3A : memref<!tpu.dma_semaphore, #tpu.memory_space<semaphore_mem>>) src(%arg20 : memref<16xf32, #tpu.memory_space<vmem>>) dst(%dma_wait3A_139 : memref<16xf32, #tpu.memory_space<hbm>>)
        tpu.yield
      }) : () -> ()
    } else {
    }
    return
  }
}

</mosaic_0001>

<sc_bundles>
// kernel: chamfer_sc.3.cloned.1.call-start
scs
__scs_entry_jumppad:
0x0: {  	(pc) =	sbr.rel $0x88, $3  }
0x1: {  	(tag) =	ssettag $0x0;
	lr =	simm.s32 $0x1  }
0x2: {  	[smem:$0x3F9F] =	sst lr;
	_ =	strace $0xD0000000  }
0x3: {  	_ = 	snop  }
0x4: {  	_ = 	snop  }
0x5: {  	_ = 	snop  }
0x6: {  	_ = 	snop  }
0x7: {  	_ = 	snop  }
__scs_overlays_trampoline_lowered:
0x8: {  	[smem:$0x3FAE] =	sst s0  }
0x9: {  	[smem:$0x3FAF] =	sst s1  }
0xa: {  	[smem:$0x3FB0] =	sst s2  }
0xb: {  	[smem:$0x3FB1] =	sst s3  }
0xc: {  	[smem:$0x3FB2] =	sst s4  }
0xd: {  	[smem:$0x3FB3] =	sst s5  }
0xe: {  	[smem:$0x3FB4] =	sst s6  }
0xf: {  	[smem:$0x3FB5] =	sst s7  }
0x10: {  	[smem:$0x3FB6] =	sst s8  }
0x11: {  	[smem:$0x3FB7] =	sst s9;
	s0 =	simm.s32 @!p0 $0x0  }
0x12: {  	s1 =	sld [smem:$0x3F9D];
	s0 =	simm.s32 @p0 $0x1  }
0x13: {  	[smem:$0x3FB8] =	sst s0;
	s0 =	simm.s32 @!p1 $0x0  }
0x14: {  	s2 =	sld [smem:$0x3F9C];
	s0 =	simm.s32 @p1 $0x1  }
0x15: {  	[smem:$0x3FB9] =	sst s0;
	s0 =	simm.s32 @!p2 $0x0  }
0x16: {  	s3 =	sld [smem:$0x3FDB];
	s0 =	simm.s32 @p2 $0x1  }
0x17: {  	s4 =	simm.s32 $0x1BF5;
	[smem:$0x3FBB] =	sst s0  }
0x18: {  	s0 =	sld [smem:$0x3F9E];
	_ =	swait.ge [sflag:s4], $0x0  }
0x19: {  	s7 =	sld [smem:$0x3F9F]  }
0x1a: {  	s8 =	sadd.s32 $0xFFFFE003, lr  }
0x1b: {  	s9 =	sadd.s32 $0xFFFFFEF7, lr;
	s5 =	simm.s32 $0xFFFFFFFF;
	p2 =	slt.u32 s8, $0xFFFFF086  }
0x1c: {  	p1 =	slt.u32 s9, $0xF7A;
	s5 =	simm.s32 @!p2 $0x0  }
0x1d: {  	s5 =	simm.s32 @p1 $0x1;
	p0 =	seq.s32 s7, s2  }
0x1e: {  	s7 =	smul.u32 @!p0 $0xF7A, s2;
	p2 =	seq.s32 @!p0 s5, $0x0  }
0x1f: {  	s9 =	smul.u32 $0xF7A, s1;
	s8 =	simm.s32 @!p0 $0x1BF5;
	p2 =	por !p2, p0  }
0x20: {  	[sflag:s8] =	ssyncset.s32 @!p0 $0xFFFFF086;
	s6 =	sadd.s32 @!p0 s3, s7;
	s7 =	simm.s32 @!p0 $0x108  }
0x21: {  	s3 =	sadd.s32 s3, s9;
	s6 =	sadd.s32 @!p0 $0x88, s6;
	s7 =	simm.s32 @p2 $0x1082  }
0x22: {  	[simem:s7], [sflag:s8] =	dma.local @!p0 [hbm:s6], $0xF7A  }
0x23: {  	s9 =	sor.u32 $0xD0000000, s2;
	s6 =	simm.s32 $0x108;
	_ =	swait.ge @!p0 [sflag:s8], $0x0  }
0x24: {  	s3 =	sadd.s32 $0x88, s3;
	s6 =	simm.s32 @!p1 $0x1082;
	[sflag:s4] =	ssyncset.s32 $0xFFFFF086  }
0x25: {  	[simem:s6], [sflag:s4] =	dma.local [hbm:s3], $0xF7A  }
0x26: {  	[smem:$0x3F9F] =	sst s1;
	(tag) =	ssettag s2;
	_ =	strace s9  }
0x27: {  	s1 =	sld [smem:$0x3FAF]  }
0x28: {  	s2 =	sld [smem:$0x3FB0]  }
0x29: {  	s4 =	sld [smem:$0x3FB2]  }
0x2a: {  	p0 =	seq.s32 s5, $0x0;
	s5 =	sld [smem:$0x3FB3]  }
0x2b: {  	s6 =	sld [smem:$0x3FB4]  }
0x2c: {  	s7 =	sld [smem:$0x3FB5]  }
0x2d: {  	s3 =	simm.s32 $0x108;
	s8 =	sld [smem:$0x3FB6]  }
0x2e: {  	s3 =	simm.s32 @!p0 $0x1082;
	s9 =	sld [smem:$0x3FB7]  }
0x2f: {  	lr =	sadd.s32 s0, s3;
	s0 =	sld [smem:$0x3FAE]  }
0x30: {  	s3 =	sld [smem:$0x3FB1]  }
0x31: {  	[smem:$0x3FBA] =	sst s10  }
0x32: {  	s10 =	sld [smem:$0x3FB8];
	_ =	sdelay $0x3  }
0x33: {  	p0 =	seq.s32 s10, $0x1;
	s10 =	sld [smem:$0x3FBA];
	_ =	sdelay $0x3  }
0x34: {  	[smem:$0x3FBA] =	sst s10  }
0x35: {  	s10 =	sld [smem:$0x3FB9];
	_ =	sdelay $0x3  }
0x36: {  	p1 =	seq.s32 s10, $0x1;
	s10 =	sld [smem:$0x3FBA];
	_ =	sdelay $0x3  }
0x37: {  	[smem:$0x3FBA] =	sst s10  }
0x38: {  	s10 =	sld [smem:$0x3FBB]  }
0x39: {  	_ = 	snop;
	(pc) =	sbr.ind lr, $3  }
0x3a: {  	_ = 	snop  }
0x3b: {  	_ = 	snop  }
0x3c: {  	p2 =	seq.s32 s10, $0x1;
	s10 =	sld [smem:$0x3FBA]  }
0x3d: {  	_ =	shalt  }
0x3e: {  	_ =	shalt  }
0x3f: {  	_ =	shalt  }
0x40: {  	_ =	shalt  }
0x41: {  	_ =	shalt  }
0x42: {  	_ =	shalt  }
0x43: {  	_ =	shalt  }
0x44: {  	_ =	shalt  }
0x45: {  	_ =	shalt  }
0x46: {  	_ =	shalt  }
0x47: {  	_ =	shalt  }
0x48: {  	_ =	shalt  }
0x49: {  	_ =	shalt  }
0x4a: {  	_ =	shalt  }
0x4b: {  	_ =	shalt  }
0x4c: {  	_ =	shalt  }
0x4d: {  	_ =	shalt  }
0x4e: {  	_ =	shalt  }
0x4f: {  	_ =	shalt  }
0x50: {  	_ =	shalt  }
0x51: {  	_ =	shalt  }
0x52: {  	_ =	shalt  }
0x53: {  	_ =	shalt  }
0x54: {  	_ =	shalt  }
0x55: {  	_ =	shalt  }
0x56: {  	_ =	shalt  }
0x57: {  	_ =	shalt  }
0x58: {  	_ =	shalt  }
0x59: {  	_ =	shalt  }
0x5a: {  	_ =	shalt  }
0x5b: {  	_ =	shalt  }
0x5c: {  	_ =	shalt  }
0x5d: {  	_ =	shalt  }
0x5e: {  	_ =	shalt  }
0x5f: {  	_ =	shalt  }
0x60: {  	_ =	shalt  }
0x61: {  	_ =	shalt  }
0x62: {  	_ =	shalt  }
0x63: {  	_ =	shalt  }
0x64: {  	_ =	shalt  }
0x65: {  	_ =	shalt  }
0x66: {  	_ =	shalt  }
0x67: {  	_ =	shalt  }
0x68: {  	_ =	shalt  }
0x69: {  	_ =	shalt  }
0x6a: {  	_ =	shalt  }
0x6b: {  	_ =	shalt  }
0x6c: {  	_ =	shalt  }
0x6d: {  	_ =	shalt  }
0x6e: {  	_ =	shalt  }
0x6f: {  	_ =	shalt  }
0x70: {  	_ =	shalt  }
0x71: {  	_ =	shalt  }
0x72: {  	_ =	shalt  }
0x73: {  	_ =	shalt  }
0x74: {  	_ =	shalt  }
0x75: {  	_ =	shalt  }
0x76: {  	_ =	shalt  }
0x77: {  	_ =	shalt  }
0x78: {  	_ =	shalt  }
0x79: {  	_ =	shalt  }
0x7a: {  	_ =	shalt  }
0x7b: {  	_ =	shalt  }
0x7c: {  	_ =	shalt  }
0x7d: {  	_ =	shalt  }
0x7e: {  	_ =	shalt  }
0x7f: {  	_ =	shalt  }
0x80: {  	_ =	shalt  }
0x81: {  	_ =	shalt  }
0x82: {  	_ =	shalt  }
0x83: {  	_ =	shalt  }
0x84: {  	_ =	shalt  }
0x85: {  	_ =	shalt  }
0x86: {  	_ =	shalt  }
0x87: {  	_ =	shalt  }
.Lfunc_end0:
.L_simem_size_0:
called_computation_lowered:
.L_overlay_start_0:
0x88: {  	s2 =	sld [smem:$0x3FD9]  }
0x89: {  	s3 =	sld [smem:$0x3FFE];
	_ =	sdelay $0x1  }
0x8a: {  	s1 =	srdreg.scid  }
0x8b: {  	s0 =	sand.u32 $0x1, s1  }
0x8c: {  	s16 =	sshll.u32 s0, $0xA;
	s2 =	sadd.s32 s3, s2  }
0x8d: {  	s2 =	sadd.s32 s2, s16  }
0x8e: {  	[smem:$0x3FC6] =	sst s2  }
0x8f: {  	_ = 	snop  }
0x90: {  	(tm) =	ssettm $0x1  }
0x91: {  	s17 =	sld [smem:$0x3FFB];
	_ =	sdelay $0x3  }
0x92: {  	_ =	strace s17  }
0x93: {  	s2 =	sld [smem:$0x3FFC];
	_ =	sdelay $0x3  }
0x94: {  	_ =	strace s2  }
0x95: {  	s2 =	sld [smem:$0x3FFD];
	_ =	sdelay $0x3  }
0x96: {  	_ =	strace s2  }
0x97: {  	_ =	strace $0x8FFFFFFF  }
0x98: {  	s18 =	sld [smem:$0x3FDB];
	_ =	sdelay $0x1  }
0x99: {  	s19 =	simm.s32 $_scs_section_size  }
0x9a: {  	s4 =	simm.s32 $_size__tile_overlayer_lowered;
	s5 =	simm.s32 $_tile_overlayer_lowered  }
0x9b: {  	s22 =	simm.s32 $0x1BFF;
	s21 =	sshll.u32 s5, $0x1;
	s2 =	sadd.s32 s19, s18  }
0x9c: {  	s6 =	simm.s32 $0x0;
	s20 =	sshll.u32 s4, $0x1;
	s4 =	sadd.s32 s21, s2  }
0x9d: {  	[timem:s6], [sflag:s22] =	dma.local [hbm:s4], s20  }
0x9e: {  	_ =	swait.ge [sflag:s22], s20  }
0x9f: {  	s3 =	ssub.s32 $0x0, s20;
	[sflag:s22] =	ssyncset.done $0x0  }
0xa0: {  	[sflag:s22] =	ssyncadd.s32 s3;
	_ =	sdelay $0x1  }
0xa1: {  	s23 =	simm.s32 $0x1B8B  }
0xa2: {  	_ =	swait.ge [sflag:s23], $0x1  }
0xa3: {  	[sflag:s23] =	ssyncset.done $0x0  }
0xa4: {  	s25 =	simm.s32 $0x1B8E;
	s24 =	sld [smem:$0x3FFE];
	[sflag:s23] =	ssyncadd.s32 $0xFFFFFFFF  }
0xa5: {  	s26 =	simm.s32 $execute0_lowered;
	[smem:$0x3FD2] =	sst s25  }
0xa6: {  	s4 =	sshll.u32 s26, $0x1;
	_ =	strace $0x80000046;
	[dreg:$0x1] =	wrdreg $0xFFFFFFFF  }
0xa7: {  	s28 =	simm.s32 $_size_execute0_lowered;
	s2 =	sadd.s32 s2, s4;
	[dreg:$0x0] =	wrdreg $0x0  }
0xa8: {  	s4 =	sshll.u32 s28, $0x1;
	[dreg:$0x2] =	wrdreg s2  }
0xa9: {  	[dreg:$0x3] =	wrdreg s4  }
0xaa: {  	[dreg:$0x4] =	wrdreg $0xC0  }
0xab: {  	_ =	task [dreg:s6], $0x5FFFF  }
0xac: {  	[dreg:$0x1] =	wrdreg $0xFFFFFFFF  }
0xad: {  	[dreg:$0x0] =	wrdreg $0x60  }
0xae: {  	[dreg:$0x2] =	wrdreg s24  }
0xaf: {  	[dreg:$0x3] =	wrdreg $0x9  }
0xb0: {  	_ =	task.clear_ibuf [dreg:s6], $0x4FFFF;
	_ =	strace $0x90000046  }
0xb1: {  	s29 =	simm.s32 $0x9;
	_ =	strace $0x80000048  }
0xb2: {  	_ =	swait.ge [sflag:s29], $0x1  }
0xb3: {  	[sflag:s29] =	ssyncadd.s32 $0xFFFFFFFF  }
0xb4: {  	_ =	strace $0x90000048  }
0xb5: {  	_ =	sfence  }
0xb6: {  	s30 =	sld [smem:$0x0];
	_ =	sdelay $0x2  }
0xb7: {  	s31 =	sshll.u32 s1, $0xD;
	s1 =	sshrl.u32 s1, $0x2  }
0xb8: {  	s3 =	sand.u32 $0x4000, s31;
	s1 =	sadd.s32 s1, s30  }
0xb9: {  	s0 =	sor.u32 s3, s0;
	s1 =	sshll.u32 s1, $0x11  }
0xba: {  	s0 =	sor.u32 s1, s0  }
0xbb: {  	s0 =	sadd.s32 $0x8F2B, s0  }
0xbc: {  	[sflag:s0] =	ssyncadd.remote.s32 $0x1  }
0xbd: {  	_ =	sfence.sel $0xFFFF  }
0xbe: {  	[dreg:$0x0] =	wrdreg $0xFFFFFFFF;
	(pc) =	sbr.abs _section_cstart, $3  }
0xbf: {  	[dreg:$0x1] =	wrdreg $0xFFFFFFFF  }
0xc0: {  	_ =	task.clear_ibuf [dreg:s6], $0x2FFFF;
	_ =	strace $0x9FFFFFFF  }
0xc1: {  	(tm) =	ssettm $0x7FFFFFFF  }
tec
execute0_lowered:
.L_overlay_start_1:
0x0: {  	(tag) =	ssettag $0x1  }
0x1: {  	s0 =	rddreg [dreg:$0x0];
	s1 =	srdreg.scid  }
0x2: {  	s9 =	stileid.u32;
	s2 =	simm.s32 $0x0;
	s13 =	simm.s32 $0x80  }
0x3: {  	s14 =	simm.s32 $0x200;
	s15 =	simm.s32 $0x1;
	s16 =	simm.s32 $0x1000  }
0x4: {  	s17 =	simm.s32 $0x2000;
	s18 =	simm.s32 $0x4000;
	s19 =	simm.s32 $0x4200  }
0x5: {  	s20 =	simm.s32 $0x4400;
	s22 =	simm.s32 $0x0;
	s1 =	sand.u32 $0x1, s1  }
0x6: {  	s7 =	sshrl.u32 s9, $0x3;
	s21 =	sand.u32 $0x7, s9;
	[smem:$0x7FF] =	sst s2  }
0x7: {  	s9 =	sshll.u32 s9, $0x7;
	s3 =	sshll.u32 s1, $0x8;
	s4 =	sshll.u32 s7, $0x7  }
0x8: {  	s30 =	sshll.u32 s21, $0xB;
	_ =	strace $0x80000047;
	s5 =	ssub.s32 $0x2, s1  }
0x9: {  	s1 =	sshll.u32 s1, $0xB;
	s10 =	sshll.u32 s7, $0xA;
	p0 =	sne.s32 s21, $0x0  }
0xa: {  	s21 =	simm.s32 $0x4800;
	s3 =	sor.u32 s3, s4;
	s31 =	sshrl.u32 s5, $0x1  }
0xb: {  	s9 =	sor.u32 s9, s1;
	s1 =	sor.u32 s1, s10;
	s4 =	sor.u32 s30, s3  }
0xc: {  	s3 =	sshrl.u32 s3, $0x3;
	s12 =	ssub.s32 s5, s31;
	s9 =	sshrl.u32 s9, $0x3  }
0xd: {  	s1 =	sshrl.u32 s1, $0x3;
	s4 =	sshrl.u32 s4, $0x3;
	s11 =	sadd.s32 s3, s0  }
0xe: {  	s12 =	smax.u32 s12, $0x1;
	s8 =	sadd.s32 s4, s0;
	s0 =	sadd.s32 $0x3600, s0  }
0xf: {  	s3 =	sadd.s32 $0x1600, s11;
	s4 =	sadd.s32 $0xE00, s11;
	s5 =	sadd.s32 $0x600, s11  }
0x10: {  	s11 =	sadd.s32 $0x3800, s11;
	s6 =	sadd.s32 $0x1E00, s8;
	s7 =	sadd.s32 $0x2600, s8  }
0x11: {  	s8 =	sadd.s32 $0x2E00, s8;
	s9 =	sadd.s32 s0, s9;
	s10 =	sadd.s32 s0, s1  }
.LBB2_1:
0x12: {  	[tilespmem:s2], [sflag:$0x1] =	stream.strided.gather [hbm4b:s3+s13], $0x1000, s14, s13, $0x38;
	[tilespmem:$0x4D00] =	vst v63  }
0x13: {  	_ =	swait.ge [sflag:s15], $0x1000  }
0x14: {  	[sflag:s15] =	ssyncset.done $0x0  }
0x15: {  	[sflag:s15] =	ssyncadd.s32 $0xFFFFF000  }
0x16: {  	[tilespmem:s16], [sflag:$0x1] =	stream.strided.gather [hbm4b:s4+s13], $0x1000, s14, s13, $0x38;
	[tilespmem:$0x4D00] =	vst v63  }
0x17: {  	_ =	swait.ge [sflag:s15], $0x1000  }
0x18: {  	[sflag:s15] =	ssyncset.done $0x0  }
0x19: {  	[sflag:s15] =	ssyncadd.s32 $0xFFFFF000  }
0x1a: {  	[tilespmem:s17], [sflag:$0x1] =	stream.strided.gather [hbm4b:s5+s13], $0x1000, s14, s13, $0x38;
	[tilespmem:$0x4D00] =	vst v63  }
0x1b: {  	_ =	swait.ge [sflag:s15], $0x1000  }
0x1c: {  	[sflag:s15] =	ssyncset.done $0x0  }
0x1d: {  	[sflag:s15] =	ssyncadd.s32 $0xFFFFF000  }
0x1e: {  	[tilespmem:s18], [sflag:$0x1] =	stream.strided.gather [hbm4b:s6+s13], $0x200, s14, s13, $0x38;
	[tilespmem:$0x4D00] =	vst v63  }
0x1f: {  	_ =	swait.ge [sflag:s15], $0x200  }
0x20: {  	[sflag:s15] =	ssyncset.done $0x0  }
0x21: {  	[sflag:s15] =	ssyncadd.s32 $0xFFFFFE00  }
0x22: {  	[tilespmem:s19], [sflag:$0x1] =	stream.strided.gather [hbm4b:s7+s13], $0x200, s14, s13, $0x38;
	[tilespmem:$0x4D00] =	vst v63  }
0x23: {  	_ =	swait.ge [sflag:s15], $0x200  }
0x24: {  	[sflag:s15] =	ssyncset.done $0x0  }
0x25: {  	[sflag:s15] =	ssyncadd.s32 $0xFFFFFE00  }
0x26: {  	[tilespmem:s20], [sflag:$0x1] =	stream.strided.gather [hbm4b:s8+s13], $0x200, s14, s13, $0x38;
	[tilespmem:$0x4D00] =	vst v63  }
0x27: {  	_ =	swait.ge [sflag:s15], $0x200  }
0x28: {  	[sflag:s15] =	ssyncset.done $0x0  }
0x29: {  	s24 =	simm.s32 $0x1020;
	[sflag:s15] =	ssyncadd.s32 $0xFFFFFE00  }
0x2a: {  	s25 =	simm.s32 $0x20;
	v0 =	vld [tilespmem:s24+$0xFFFFFFE0]  }
0x2b: {  	v1 =	vld [tilespmem:s25+$0xFFFFFFE0]  }
0x2c: {  	s26 =	simm.s32 $0x2020  }
0x2d: {  	v2 =	vld [tilespmem:s26+$0xFFFFFFE0];
	_ =	sdelay $0x2  }
0x2e: {  	v3 =	vmul.f32 v1, v1;
	v4 =	vmul.f32 v0, v0  }
0x2f: {  	v5 =	vshrl.u32 v0, $0x10  }
0x30: {  	v6 =	vshrl.u32 v1, $0x10;
	v3 =	vadd.f32 v4, v3;
	v4 =	vmul.f32 v2, v2  }
0x31: {  	v6 =	vand.u32 $0x1, v6;
	v5 =	vand.u32 $0x1, v5  }
0x32: {  	v1 =	vadd.s32 v6, v1;
	v6 =	vshrl.u32 v2, $0x10;
	v3 =	vadd.f32 v4, v3  }
0x33: {  	s28 =	simm.s32 $0x3020;
	v0 =	vadd.s32 v5, v0;
	v1 =	vadd.s32 $0x7FFF, v1;
	v4 =	vand.u32 $0x1, v6  }
0x34: {  	v0 =	vadd.s32 $0x7FFF, v0;
	v1 =	vand.u32 $0xFFFF0000, v1;
	v2 =	vadd.s32 v4, v2;
	[tilespmem:s28+$0xFFFFFFE0] =	vst v3  }
0x35: {  	v0 =	vand.u32 $0xFFFF0000, v0;
	v2 =	vadd.s32 $0x7FFF, v2;
	[tilespmem:s25+$0xFFFFFFE0] =	vst v1  }
0x36: {  	[tilespmem:s24+$0xFFFFFFE0] =	vst v0;
	v0 =	vand.u32 $0xFFFF0000, v2  }
0x37: {  	[tilespmem:s26+$0xFFFFFFE0] =	vst v0  }
0x38: {  	v0 =	vld [tilespmem:s25+$0xFFFFFFF0]  }
0x39: {  	v1 =	vld [tilespmem:s24+$0xFFFFFFF0];
	_ =	sdelay $0x1  }
0x3a: {  	v2 =	vld [tilespmem:s26+$0xFFFFFFF0];
	_ =	sdelay $0x2  }
0x3b: {  	v3 =	vmul.f32 v0, v0;
	v4 =	vmul.f32 v1, v1  }
0x3c: {  	v5 =	vshrl.u32 v0, $0x10  }
0x3d: {  	v6 =	vshrl.u32 v1, $0x10;
	v3 =	vadd.f32 v4, v3;
	v4 =	vmul.f32 v2, v2  }
0x3e: {  	v5 =	vand.u32 $0x1, v5;
	v6 =	vand.u32 $0x1, v6  }
0x3f: {  	v0 =	vadd.s32 v5, v0;
	v5 =	vshrl.u32 v2, $0x10;
	v3 =	vadd.f32 v4, v3  }
0x40: {  	v1 =	vadd.s32 v6, v1;
	v0 =	vadd.s32 $0x7FFF, v0;
	v4 =	vand.u32 $0x1, v5  }
0x41: {  	v1 =	vadd.s32 $0x7FFF, v1;
	v0 =	vand.u32 $0xFFFF0000, v0;
	v2 =	vadd.s32 v4, v2;
	[tilespmem:s28+$0xFFFFFFF0] =	vst v3  }
0x42: {  	v2 =	vadd.s32 $0x7FFF, v2;
	[tilespmem:s25+$0xFFFFFFF0] =	vst v0;
	v0 =	vand.u32 $0xFFFF0000, v1  }
0x43: {  	[tilespmem:s24+$0xFFFFFFF0] =	vst v0;
	v0 =	vand.u32 $0xFFFF0000, v2  }
0x44: {  	[tilespmem:s26+$0xFFFFFFF0] =	vst v0  }
0x45: {  	v2 =	vld [tilespmem:s25+$0x0]  }
0x46: {  	v0 =	vld [tilespmem:s24+$0x0];
	_ =	sdelay $0x1  }
0x47: {  	v1 =	vld [tilespmem:s26+$0x0];
	_ =	sdelay $0x1  }
0x48: {  	v3 =	vshrl.u32 v2, $0x10  }
0x49: {  	v4 =	vmul.f32 v2, v2;
	v5 =	vmul.f32 v0, v0;
	v3 =	vand.u32 $0x1, v3  }
0x4a: {  	s31 =	simm.s32 $0x0;
	s0 =	simm.s32 $0x1060;
	v2 =	vadd.s32 v3, v2;
	v3 =	vshrl.u32 v0, $0x10  }
0x4b: {  	s1 =	simm.s32 $0x60;
	s30 =	simm.s32 $0x3020;
	s29 =	simm.s32 $0x2020;
	v4 =	vadd.f32 v5, v4;
	v5 =	vmul.f32 v1, v1;
	v2 =	vadd.s32 $0x7FFF, v2  }
.LBB2_2:
0x4c: {  	s31 =	sadd.s32 $0x4, s31;
	v6 =	vshrl.u32 v1, $0x10;
	s28 =	sadd.s32 $0x40, s28;
	s26 =	sadd.s32 $0x40, s26  }
0x4d: {  	v3 =	vand.u32 $0x1, v3;
	p1 =	slt.u32 s31, $0xFC;
	v4 =	vadd.f32 v5, v4;
	v5 =	vand.u32 $0x1, v6  }
0x4e: {  	v0 =	vadd.s32 v3, v0;
	v1 =	vadd.s32 v5, v1  }
0x4f: {  	v2 =	vand.u32 $0xFFFF0000, v2;
	v0 =	vadd.s32 $0x7FFF, v0;
	[tilespmem:s30+$0x0] =	vst v4;
	v1 =	vadd.s32 $0x7FFF, v1  }
0x50: {  	v0 =	vand.u32 $0xFFFF0000, v0;
	[tilespmem:s25+$0x0] =	vst v2  }
0x51: {  	[tilespmem:s24+$0x0] =	vst v0;
	v0 =	vand.u32 $0xFFFF0000, v1  }
0x52: {  	[tilespmem:s29+$0x0] =	vst v0;
	v0 =	vld [tilespmem:s29+$0x10]  }
0x53: {  	v1 =	vld [tilespmem:s25+$0x10]  }
0x54: {  	v2 =	vld [tilespmem:s24+$0x10];
	_ =	sdelay $0x2  }
0x55: {  	v3 =	vshrl.u32 v0, $0x10  }
0x56: {  	v4 =	vshrl.u32 v1, $0x10;
	v3 =	vand.u32 $0x1, v3  }
0x57: {  	v5 =	vmul.f32 v1, v1;
	v6 =	vmul.f32 v2, v2;
	v4 =	vand.u32 $0x1, v4  }
0x58: {  	v7 =	vmul.f32 v0, v0;
	v1 =	vadd.s32 v4, v1;
	v4 =	vshrl.u32 v2, $0x10  }
0x59: {  	v5 =	vadd.f32 v6, v5;
	v1 =	vadd.s32 $0x7FFF, v1;
	v4 =	vand.u32 $0x1, v4  }
0x5a: {  	v0 =	vadd.s32 v3, v0;
	v2 =	vadd.s32 v4, v2  }
0x5b: {  	v0 =	vadd.s32 $0x7FFF, v0;
	v3 =	vadd.f32 v7, v5;
	v2 =	vadd.s32 $0x7FFF, v2;
	_ =	sdelay $0x1  }
0x5c: {  	v1 =	vand.u32 $0xFFFF0000, v1;
	[tilespmem:s30+$0x10] =	vst v3;
	s30 =	smov.u32 s28  }
0x5d: {  	[tilespmem:s25+$0x10] =	vst v1;
	v1 =	vand.u32 $0xFFFF0000, v2;
	s25 =	smov.u32 s1  }
0x5e: {  	v0 =	vand.u32 $0xFFFF0000, v0;
	[tilespmem:s24+$0x10] =	vst v1;
	s24 =	smov.u32 s0  }
0x5f: {  	[tilespmem:s29+$0x10] =	vst v0;
	s29 =	smov.u32 s26  }
0x60: {  	v0 =	vld [tilespmem:s0+$0xFFFFFFE0]  }
0x61: {  	v1 =	vld [tilespmem:s1+$0xFFFFFFE0];
	_ =	sdelay $0x1  }
0x62: {  	v2 =	vld [tilespmem:s26+$0xFFFFFFE0];
	_ =	sdelay $0x1  }
0x63: {  	v3 =	vshrl.u32 v0, $0x10  }
0x64: {  	v5 =	vmul.f32 v0, v0;
	v4 =	vmul.f32 v1, v1;
	v6 =	vshrl.u32 v1, $0x10  }
0x65: {  	v3 =	vand.u32 $0x1, v3;
	v6 =	vand.u32 $0x1, v6  }
0x66: {  	v4 =	vadd.f32 v5, v4;
	v5 =	vmul.f32 v2, v2;
	v1 =	vadd.s32 v6, v1  }
0x67: {  	v0 =	vadd.s32 v3, v0;
	v3 =	vshrl.u32 v2, $0x10;
	v1 =	vadd.s32 $0x7FFF, v1  }
0x68: {  	v0 =	vadd.s32 $0x7FFF, v0;
	v3 =	vand.u32 $0x1, v3;
	v4 =	vadd.f32 v5, v4  }
0x69: {  	v2 =	vadd.s32 v3, v2  }
0x6a: {  	v1 =	vand.u32 $0xFFFF0000, v1;
	v2 =	vadd.s32 $0x7FFF, v2;
	[tilespmem:s28+$0xFFFFFFE0] =	vst v4  }
0x6b: {  	v0 =	vand.u32 $0xFFFF0000, v0;
	[tilespmem:s1+$0xFFFFFFE0] =	vst v1  }
0x6c: {  	[tilespmem:s0+$0xFFFFFFE0] =	vst v0;
	v0 =	vand.u32 $0xFFFF0000, v2  }
0x6d: {  	[tilespmem:s26+$0xFFFFFFE0] =	vst v0  }
0x6e: {  	v0 =	vld [tilespmem:s1+$0xFFFFFFF0]  }
0x6f: {  	v1 =	vld [tilespmem:s0+$0xFFFFFFF0];
	_ =	sdelay $0x1  }
0x70: {  	v2 =	vld [tilespmem:s26+$0xFFFFFFF0];
	_ =	sdelay $0x1  }
0x71: {  	v3 =	vshrl.u32 v0, $0x10  }
0x72: {  	v4 =	vmul.f32 v0, v0;
	v5 =	vmul.f32 v1, v1;
	v6 =	vshrl.u32 v1, $0x10  }
0x73: {  	v3 =	vand.u32 $0x1, v3;
	v6 =	vand.u32 $0x1, v6  }
0x74: {  	v4 =	vadd.f32 v5, v4;
	v5 =	vmul.f32 v2, v2;
	v1 =	vadd.s32 v6, v1  }
0x75: {  	v0 =	vadd.s32 v3, v0;
	v3 =	vshrl.u32 v2, $0x10;
	v1 =	vadd.s32 $0x7FFF, v1  }
0x76: {  	v3 =	vand.u32 $0x1, v3;
	v4 =	vadd.f32 v5, v4  }
0x77: {  	v0 =	vadd.s32 $0x7FFF, v0;
	v2 =	vadd.s32 v3, v2  }
0x78: {  	v0 =	vand.u32 $0xFFFF0000, v0;
	v2 =	vadd.s32 $0x7FFF, v2;
	[tilespmem:s28+$0xFFFFFFF0] =	vst v4  }
0x79: {  	[tilespmem:s1+$0xFFFFFFF0] =	vst v0;
	v0 =	vand.u32 $0xFFFF0000, v1  }
0x7a: {  	[tilespmem:s0+$0xFFFFFFF0] =	vst v0;
	v0 =	vand.u32 $0xFFFF0000, v2  }
0x7b: {  	[tilespmem:s26+$0xFFFFFFF0] =	vst v0  }
0x7c: {  	v2 =	vld [tilespmem:s1+$0x0]  }
0x7d: {  	v0 =	vld [tilespmem:s0+$0x0];
	_ =	sdelay $0x1  }
0x7e: {  	v1 =	vld [tilespmem:s26+$0x0]  }
.Ltmp0:
0x7f: {  	(pc) =	sbr.rel @p1 .LBB2_2-.Ltmp0, $4  }
0x80: {  	v3 =	vshrl.u32 v2, $0x10  }
0x81: {  	v4 =	vmul.f32 v2, v2;
	v5 =	vmul.f32 v0, v0;
	v3 =	vand.u32 $0x1, v3  }
0x82: {  	v2 =	vadd.s32 v3, v2;
	v3 =	vshrl.u32 v0, $0x10  }
0x83: {  	s23 =	simm.s32 $0x0;
	s1 =	sadd.s32 $0x40, s1;
	s0 =	sadd.s32 $0x40, s0;
	v4 =	vadd.f32 v5, v4;
	v5 =	vmul.f32 v1, v1;
	v2 =	vadd.s32 $0x7FFF, v2  }
0x84: {  	_ = 	snop  }
0x85: {  	v6 =	vshrl.u32 v1, $0x10;
	v3 =	vand.u32 $0x1, v3;
	v4 =	vadd.f32 v5, v4  }
0x86: {  	v52 =	vand.u32 $0x1, v6;
	v0 =	vadd.s32 v3, v0  }
0x87: {  	v2 =	vand.u32 $0xFFFF0000, v2;
	v53 =	vadd.s32 v52, v1;
	v0 =	vadd.s32 $0x7FFF, v0;
	[tilespmem:s30+$0x0] =	vst v4  }
0x88: {  	v1 =	vadd.s32 $0x7FFF, v53;
	v0 =	vand.u32 $0xFFFF0000, v0;
	[tilespmem:s25+$0x0] =	vst v2  }
0x89: {  	v54 =	vand.u32 $0xFFFF0000, v1;
	[tilespmem:s24+$0x0] =	vst v0  }
0x8a: {  	[tilespmem:s29+$0x0] =	vst v54  }
0x8b: {  	v0 =	vld [tilespmem:s25+$0x10]  }
0x8c: {  	v55 =	vld [tilespmem:s24+$0x10];
	_ =	sdelay $0x1  }
0x8d: {  	v2 =	vld [tilespmem:s29+$0x10];
	_ =	sdelay $0x2  }
0x8e: {  	v56 =	vmul.f32 v0, v0;
	v57 =	vmul.f32 v55, v55;
	_ =	sdelay $0x1  }
0x8f: {  	v59 =	vmul.f32 v2, v2;
	v58 =	vshrl.u32 v0, $0x10;
	v3 =	vadd.f32 v57, v56  }
0x90: {  	v60 =	vshrl.u32 v2, $0x10;
	v7 =	vshrl.u32 v55, $0x10;
	v5 =	vand.u32 $0x1, v58  }
0x91: {  	v61 =	vand.u32 $0x1, v7;
	v0 =	vadd.s32 v5, v0;
	v3 =	vadd.f32 v59, v3  }
0x92: {  	v4 =	vand.u32 $0x1, v60;
	v1 =	vadd.s32 v61, v55;
	v0 =	vadd.s32 $0x7FFF, v0  }
0x93: {  	v2 =	vadd.s32 v4, v2;
	v1 =	vadd.s32 $0x7FFF, v1;
	v0 =	vand.u32 $0xFFFF0000, v0;
	[tilespmem:s30+$0x10] =	vst v3  }
0x94: {  	v2 =	vadd.s32 $0x7FFF, v2;
	v62 =	vand.u32 $0xFFFF0000, v1;
	[tilespmem:s25+$0x10] =	vst v0  }
0x95: {  	v63 =	vand.u32 $0xFFFF0000, v2;
	[tilespmem:s24+$0x10] =	vst v62  }
0x96: {  	[tilespmem:s29+$0x10] =	vst v63  }
.LBB2_4:
0x97: {  	s24 =	sshll.u32 s23, $0x4  }
0x98: {  	v0 =	vld [tilespmem:s24+$0x4000];
	_ =	sdelay $0x3  }
0x99: {  	v1 =	vld [tilespmem:s24+$0x4200]  }
0x9a: {  	v2 =	vshrl.u32 v0, $0x10  }
0x9b: {  	v2 =	vand.u32 $0x1, v2  }
0x9c: {  	v0 =	vadd.s32 v2, v0  }
0x9d: {  	v0 =	vadd.s32 $0x7FFF, v0  }
0x9e: {  	v2 =	vshrl.u32 v1, $0x10;
	v0 =	vand.u32 $0xFFFF0000, v0  }
0x9f: {  	v3 =	vld [tilespmem:s24+$0x4400];
	v2 =	vand.u32 $0x1, v2;
	v4 =	vmul.f32 $-2.000000000e+00, v0  }
0xa0: {  	v0 =	vadd.s32 v2, v1  }
0xa1: {  	v0 =	vadd.s32 $0x7FFF, v0;
	v5 =	vbroadcast v4, $0x0;
	v6 =	vbroadcast v4, $0x1  }
0xa2: {  	v0 =	vand.u32 $0xFFFF0000, v0;
	v7 =	vbroadcast v4, $0x2;
	v8 =	vbroadcast v4, $0x3  }
0xa3: {  	v9 =	vbroadcast v4, $0x4;
	v2 =	vmul.f32 $-2.000000000e+00, v0  }
0xa4: {  	s26 =	simm.s32 $0x1010;
	v1 =	vshrl.u32 v3, $0x10;
	v10 =	vbroadcast v4, $0x5;
	v11 =	vbroadcast v4, $0x6  }
0xa5: {  	v33 =	vld [tilespmem:s26+$0x0];
	[tilespmem:$0x1FF50] =	vst v4;
	v4 =	vbroadcast v4, $0x7;
	v0 =	vand.u32 $0x1, v1;
	v14 =	vbroadcast v2, $0x0  }
0xa6: {  	v1 =	vld [tilespmem:s26+$0xFFFFFFF0];
	v0 =	vadd.s32 v0, v3;
	v15 =	vbroadcast v2, $0x1;
	v16 =	vbroadcast v2, $0x2  }
0xa7: {  	v0 =	vadd.s32 $0x7FFF, v0;
	v17 =	vbroadcast v2, $0x3;
	v18 =	vbroadcast v2, $0x4  }
0xa8: {  	v19 =	vbroadcast v2, $0x5;
	v20 =	vbroadcast v2, $0x6;
	v0 =	vand.u32 $0xFFFF0000, v0  }
0xa9: {  	v21 =	vbroadcast v2, $0x7;
	v3 =	vmul.f32 $-2.000000000e+00, v0  }
0xaa: {  	v46 =	vmul.f32 v33, v16;
	v55 =	vmul.f32 v33, v20  }
0xab: {  	v60 =	vmul.f32 v33, v17;
	v44 =	vmul.f32 v1, v17  }
0xac: {  	s0 =	simm.s32 $0x10;
	v50 =	vmul.f32 v1, v20;
	v52 =	vmul.f32 v1, v21  }
0xad: {  	[tilespmem:$0x1FF60] =	vst v2;
	v2 =	vld [tilespmem:s0+$0x0];
	v57 =	vmul.f32 v1, v14;
	v59 =	vmul.f32 v1, v18  }
0xae: {  	s1 =	simm.s32 $0x2010;
	v23 =	vbroadcast v3, $0x0;
	v22 =	vbroadcast v3, $0x1  }
0xaf: {  	v30 =	vld [tilespmem:s1+$0xFFFFFFF0];
	v24 =	vbroadcast v3, $0x2;
	v25 =	vbroadcast v3, $0x3  }
0xb0: {  	v41 =	vld [tilespmem:s1+$0x0];
	v26 =	vbroadcast v3, $0x4;
	v27 =	vbroadcast v3, $0x5  }
0xb1: {  	v28 =	vbroadcast v3, $0x6;
	v29 =	vbroadcast v3, $0x7  }
0xb2: {  	v0 =	vld [tilespmem:s0+$0xFFFFFFF0];
	v43 =	vmul.f32 v2, v7;
	v45 =	vmul.f32 v2, v5  }
0xb3: {  	s25 =	simm.s32 $0x3010;
	v47 =	vmul.f32 v2, v8;
	v54 =	vmul.f32 v2, v11  }
0xb4: {  	v36 =	vld [tilespmem:s25+$0x0];
	v32 =	vmul.f32 v30, v27;
	v40 =	vmul.f32 v30, v28  }
0xb5: {  	v53 =	vmul.f32 v41, v23;
	v58 =	vmul.f32 v30, v29  }
0xb6: {  	v35 =	vld [tilespmem:s25+$0xFFFFFFF0];
	v62 =	vmul.f32 v30, v26;
	v63 =	vmul.f32 v30, v25  }
0xb7: {  	v37 =	vmul.f32 v0, v5;
	v34 =	vmul.f32 v0, v8  }
0xb8: {  	v31 =	vimm.f32 $+Inf;
	v38 =	vmul.f32 v0, v7;
	v39 =	vmul.f32 v0, v9  }
0xb9: {  	v42 =	vmul.f32 v0, v11;
	v43 =	vadd.f32 v36, v43;
	v45 =	vadd.f32 v36, v45  }
0xba: {  	v48 =	vmul.f32 v0, v4;
	v47 =	vadd.f32 v36, v47;
	v56 =	vadd.f32 v36, v54  }
0xbb: {  	[tilespmem:$0x1FF80] =	vst v7;
	v7 =	vmul.f32 v41, v24;
	v39 =	vadd.f32 v35, v39;
	v42 =	vadd.f32 v35, v42  }
0xbc: {  	[tilespmem:$0x1FFA0] =	vst v8;
	v8 =	vmul.f32 v33, v14;
	v43 =	vadd.f32 v43, v46;
	v49 =	vadd.f32 v35, v34  }
0xbd: {  	v61 =	vmul.f32 v0, v10;
	v48 =	vadd.f32 v35, v48;
	v37 =	vadd.f32 v35, v37  }
0xbe: {  	[tilespmem:$0x1FF90] =	vst v5;
	v0 =	vmul.f32 v0, v6;
	v5 =	vadd.f32 v47, v60;
	v38 =	vadd.f32 v35, v38  }
0xbf: {  	[tilespmem:$0x1FFB0] =	vst v11;
	v11 =	vmul.f32 v41, v25;
	v34 =	vadd.f32 v43, v7;
	v44 =	vadd.f32 v49, v44  }
0xc0: {  	v54 =	vmul.f32 v1, v19;
	v42 =	vadd.f32 v42, v50;
	v43 =	vadd.f32 v45, v8  }
0xc1: {  	v60 =	vmul.f32 v1, v15;
	v46 =	vadd.f32 v48, v52;
	v37 =	vadd.f32 v37, v57  }
0xc2: {  	v45 =	vadd.f32 v56, v55;
	v7 =	vmul.f32 v41, v28;
	v8 =	vadd.f32 v35, v61  }
0xc3: {  	v35 =	vadd.f32 v35, v0;
	v0 =	vadd.f32 v5, v11;
	v55 =	vmul.f32 v1, v16  }
0xc4: {  	v56 =	vmul.f32 v2, v4;
	v51 =	vadd.f32 v43, v53;
	v40 =	vadd.f32 v42, v40  }
0xc5: {  	v57 =	vmul.f32 v2, v9;
	v42 =	vadd.f32 v39, v59;
	v52 =	vadd.f32 v46, v58  }
0xc6: {  	v61 =	vmul.f32 v33, v18;
	v39 =	vadd.f32 v44, v63;
	v45 =	vadd.f32 v45, v7  }
0xc7: {  	v53 =	vmul.f32 v30, v23;
	v46 =	vadd.f32 v38, v55;
	v58 =	vmul.f32 v2, v6  }
0xc8: {  	v2 =	vmul.f32 v2, v10;
	v47 =	vadd.f32 v8, v54;
	v54 =	vmul.f32 v41, v22  }
0xc9: {  	v38 =	vadd.f32 v36, v57;
	v44 =	vmul.f32 v41, v26;
	v63 =	vmul.f32 v33, v21  }
0xca: {  	v37 =	vadd.f32 v37, v53;
	v39 =	vmin.f32 v31, v39;
	v53 =	vadd.f32 v36, v56  }
0xcb: {  	v40 =	vmin.f32 v31, v40;
	v59 =	vadd.f32 v36, v58;
	v43 =	vadd.f32 v36, v2  }
0xcc: {  	v2 =	vmul.f32 v33, v15;
	v49 =	vadd.f32 v42, v62;
	v48 =	vadd.f32 v38, v61  }
0xcd: {  	[tilespmem:$0x1FFC0] =	vst v4;
	v38 =	vmul.f32 v41, v27;
	v42 =	vmin.f32 v31, v52;
	v36 =	vimm.f32 $+Inf  }
0xce: {  	[tilespmem:$0x1FFD0] =	vst v9;
	v0 =	vmin.f32 v39, v0;
	v39 =	vmul.f32 v30, v24;
	v1 =	vmin.f32 v40, v45  }
0xcf: {  	[tilespmem:$0x1FFE0] =	vst v6;
	v40 =	vmul.f32 v41, v29;
	v45 =	vadd.f32 v35, v60;
	v62 =	vadd.f32 v59, v2  }
0xd0: {  	s28 =	simm.s32 $0x30;
	[tilespmem:$0x1FFF0] =	vst v10;
	v35 =	vimm.f32 $+Inf;
	v2 =	vmin.f32 v31, v37;
	v50 =	vadd.f32 v53, v63  }
0xd1: {  	s1 =	simm.s32 $0x2030;
	s26 =	simm.s32 $0x1030;
	s0 =	simm.s32 $0x0;
	[tilespmem:$0x1FF70] =	vst v3;
	v37 =	vimm.f32 $+Inf;
	v2 =	vmin.f32 v2, v51;
	v41 =	vadd.f32 v62, v54  }
.LBB2_5:
0xd2: {  	v51 =	vld [tilespmem:s28+$0xFFFFFFF0]  }
0xd3: {  	v60 =	vld [tilespmem:s1+$0xFFFFFFF0]  }
0xd4: {  	v3 =	vld [tilespmem:$0x1FF90]  }
0xd5: {  	v5 =	vld [tilespmem:$0x1FFA0]  }
0xd6: {  	v4 =	vld [tilespmem:$0x1FF80]  }
0xd7: {  	v33 =	vmul.f32 v33, v19;
	v11 =	vld [tilespmem:$0x1FFD0];
	v39 =	vadd.f32 v46, v39  }
0xd8: {  	v30 =	vmul.f32 v30, v22;
	v13 =	vld [tilespmem:$0x1FFF0];
	v32 =	vadd.f32 v47, v32;
	v44 =	vadd.f32 v48, v44  }
0xd9: {  	v7 =	vld [tilespmem:$0x1FFB0];
	v31 =	vmin.f32 v31, v49;
	v40 =	vadd.f32 v50, v40;
	v33 =	vadd.f32 v43, v33  }
0xda: {  	v47 =	vld [tilespmem:s26+$0xFFFFFFF0];
	v6 =	vadd.f32 v45, v30;
	v37 =	vmin.f32 v37, v32;
	v61 =	vmin.f32 v36, v39  }
0xdb: {  	v48 =	vld [tilespmem:s28+$0x0];
	v31 =	vmin.f32 v31, v44;
	v36 =	vmin.f32 v61, v34;
	v34 =	vmul.f32 v51, v3  }
0xdc: {  	v38 =	vadd.f32 v33, v38;
	v62 =	vmul.f32 v51, v5;
	v44 =	vmul.f32 v51, v4  }
0xdd: {  	v35 =	vmin.f32 v35, v6;
	v32 =	vmul.f32 v60, v27;
	v30 =	vmovc v60;
	v63 =	vmul.f32 v51, v11  }
0xde: {  	v50 =	vld [tilespmem:s1+$0x0];
	v6 =	vmul.f32 v51, v7;
	v35 =	vmin.f32 v35, v41;
	v46 =	vmul.f32 v30, v28  }
0xdf: {  	s25 =	sadd.s32 $0x20, s25;
	v37 =	vmin.f32 v37, v38;
	v38 =	vmul.f32 v51, v13;
	v41 =	vmul.f32 v47, v17  }
0xe0: {  	v43 =	vld [tilespmem:s25+$0xFFFFFFF0];
	v8 =	vmul.f32 v48, v3;
	v53 =	vmul.f32 v30, v26  }
0xe1: {  	v54 =	vmul.f32 v48, v4;
	v57 =	vmul.f32 v48, v5  }
0xe2: {  	v45 =	vld [tilespmem:s25+$0x0];
	v39 =	vmul.f32 v30, v24;
	v60 =	vmul.f32 v47, v19  }
0xe3: {  	v61 =	vmul.f32 v50, v28;
	v10 =	vmul.f32 v50, v24  }
0xe4: {  	v42 =	vmin.f32 v42, v40;
	v33 =	vld [tilespmem:s26+$0x0];
	v4 =	vmul.f32 v30, v29;
	v40 =	vmul.f32 v50, v29  }
0xe5: {  	v7 =	vmul.f32 v48, v7;
	v52 =	vadd.f32 v43, v63;
	v49 =	vadd.f32 v43, v6  }
0xe6: {  	v11 =	vmul.f32 v48, v11;
	v59 =	vadd.f32 v43, v62;
	v62 =	vadd.f32 v43, v44  }
0xe7: {  	v12 =	vmul.f32 v47, v18;
	v6 =	vld [tilespmem:$0x1FFC0];
	v63 =	vadd.f32 v43, v34;
	v55 =	vadd.f32 v45, v8  }
0xe8: {  	v54 =	vadd.f32 v45, v54;
	v57 =	vadd.f32 v45, v57;
	v8 =	vmul.f32 v47, v20  }
0xe9: {  	v7 =	vadd.f32 v45, v7;
	v11 =	vadd.f32 v45, v11;
	v56 =	vmul.f32 v33, v16  }
0xea: {  	v58 =	vmul.f32 v33, v15;
	v41 =	vadd.f32 v59, v41;
	v12 =	vadd.f32 v52, v12  }
0xeb: {  	v5 =	vadd.f32 v49, v8;
	v8 =	vmul.f32 v47, v15;
	v49 =	vmul.f32 v47, v14  }
0xec: {  	v54 =	vadd.f32 v54, v56;
	v56 =	vmul.f32 v33, v20;
	v9 =	vmul.f32 v51, v6  }
0xed: {  	v59 =	vmul.f32 v48, v6;
	v6 =	vadd.f32 v43, v38;
	v38 =	vmul.f32 v50, v23  }
0xee: {  	v5 =	vadd.f32 v5, v46;
	v46 =	vadd.f32 v63, v49;
	v49 =	vmul.f32 v30, v25  }
0xef: {  	v34 =	vadd.f32 v54, v10;
	v54 =	vmul.f32 v33, v17;
	v10 =	vmul.f32 v33, v14  }
0xf0: {  	v7 =	vadd.f32 v7, v56;
	v56 =	vmul.f32 v33, v21;
	v3 =	vadd.f32 v43, v9  }
0xf1: {  	v63 =	vld [tilespmem:$0x1FFE0];
	v9 =	vmul.f32 v47, v21;
	v59 =	vadd.f32 v45, v59;
	v1 =	vmin.f32 v1, v5  }
0xf2: {  	v47 =	vmul.f32 v47, v16;
	v41 =	vadd.f32 v41, v49;
	v49 =	vadd.f32 v12, v53  }
0xf3: {  	v44 =	vadd.f32 v55, v10;
	v55 =	vmul.f32 v50, v22;
	v7 =	vadd.f32 v7, v61  }
0xf4: {  	v61 =	vmul.f32 v48, v13;
	v3 =	vadd.f32 v3, v9;
	v9 =	vmul.f32 v33, v18  }
0xf5: {  	v10 =	vadd.f32 v44, v38;
	v44 =	vmul.f32 v50, v26;
	v38 =	vmul.f32 v50, v27  }
0xf6: {  	v0 =	vmin.f32 v0, v41;
	v5 =	vmul.f32 v48, v63;
	v50 =	vmul.f32 v50, v25  }
0xf7: {  	s0 =	sadd.s32 $0x2, s0;
	v3 =	vadd.f32 v3, v4;
	v4 =	vmul.f32 v51, v63;
	v63 =	vadd.f32 v57, v54  }
0xf8: {  	p1 =	slt.u32 s0, $0xFE;
	v57 =	vmul.f32 v30, v23;
	v48 =	vadd.f32 v11, v9;
	v5 =	vadd.f32 v45, v5  }
.Ltmp1:
0xf9: {  	v4 =	vadd.f32 v43, v4;
	v42 =	vmin.f32 v42, v3;
	v3 =	vadd.f32 v63, v50;
	(pc) =	sbr.rel @p1 .LBB2_5-.Ltmp1, $4  }
0xfa: {  	v1 =	vmin.f32 v1, v7;
	v63 =	vadd.f32 v46, v57;
	v46 =	vadd.f32 v62, v47  }
0xfb: {  	v47 =	vadd.f32 v6, v60;
	v0 =	vmin.f32 v0, v3;
	v3 =	vadd.f32 v5, v58  }
0xfc: {  	v43 =	vadd.f32 v45, v61;
	v50 =	vadd.f32 v59, v56;
	v2 =	vmin.f32 v2, v63  }
0xfd: {  	s1 =	sadd.s32 $0x20, s1;
	s28 =	sadd.s32 $0x20, s28;
	s26 =	sadd.s32 $0x20, s26;
	v45 =	vadd.f32 v4, v8;
	v2 =	vmin.f32 v2, v10;
	v41 =	vadd.f32 v3, v55  }
0xfe: {  	v5 =	vld [tilespmem:$0x1FF50];
	_ =	sdelay $0x3  }
0xff: {  	v3 =	vmul.f32 v33, v19;
	v55 =	vld [tilespmem:$0x1FF60]  }
0x100: {  	v4 =	vmul.f32 v30, v22;
	v6 =	vbroadcast v5, $0x8  }
0x101: {  	v13 =	vadd.f32 v46, v39;
	v7 =	vbroadcast v5, $0x9;
	v8 =	vbroadcast v5, $0xA  }
0x102: {  	v20 =	vmin.f32 v31, v49;
	v9 =	vbroadcast v5, $0xB;
	v10 =	vbroadcast v5, $0xC  }
0x103: {  	v16 =	vadd.f32 v47, v32;
	v58 =	vld [tilespmem:$0x1FF70];
	v11 =	vbroadcast v5, $0xD;
	v12 =	vbroadcast v5, $0xE  }
0x104: {  	v21 =	vadd.f32 v48, v44;
	v14 =	vbroadcast v5, $0xF;
	v15 =	vbroadcast v55, $0x8  }
0x105: {  	v32 =	vmin.f32 v37, v16;
	v17 =	vbroadcast v55, $0x9;
	v57 =	vbroadcast v55, $0xA  }
0x106: {  	s0 =	simm.s32 $0x10;
	v24 =	vmin.f32 v36, v13;
	v18 =	vbroadcast v55, $0xB;
	v19 =	vbroadcast v55, $0xC  }
0x107: {  	v36 =	vld [tilespmem:s0+$0xFFFFFFF0];
	v56 =	vmin.f32 v20, v21;
	v16 =	vbroadcast v55, $0xD;
	v21 =	vbroadcast v55, $0xE  }
0x108: {  	s1 =	simm.s32 $0x2010;
	v22 =	vbroadcast v55, $0xF;
	v23 =	vbroadcast v58, $0x8  }
0x109: {  	v30 =	vadd.f32 v50, v40;
	v29 =	vld [tilespmem:s1+$0xFFFFFFF0];
	v20 =	vbroadcast v58, $0x9;
	v25 =	vbroadcast v58, $0xA  }
0x10a: {  	s26 =	simm.s32 $0x1010;
	v39 =	vld [tilespmem:s0+$0x0];
	v3 =	vadd.f32 v43, v3;
	v26 =	vbroadcast v58, $0xB;
	v27 =	vbroadcast v58, $0xC  }
0x10b: {  	v37 =	vld [tilespmem:s26+$0xFFFFFFF0];
	v61 =	vmin.f32 v42, v30;
	v28 =	vbroadcast v58, $0xD;
	v30 =	vbroadcast v58, $0xE  }
0x10c: {  	v59 =	vadd.f32 v45, v4;
	v31 =	vbroadcast v58, $0xF;
	v43 =	vmul.f32 v36, v6  }
0x10d: {  	v47 =	vld [tilespmem:s1+$0x0];
	v62 =	vmul.f32 v36, v9;
	v44 =	vmul.f32 v36, v8  }
0x10e: {  	v33 =	vmin.f32 v35, v59;
	v35 =	vmul.f32 v29, v28;
	v63 =	vmul.f32 v36, v10  }
0x10f: {  	s25 =	simm.s32 $0x3010;
	[tilespmem:$0x1FE30] =	vst v56;
	v60 =	vmin.f32 v24, v34;
	v13 =	vmul.f32 v29, v30;
	v56 =	vmul.f32 v36, v12  }
0x110: {  	v40 =	vld [tilespmem:s25+$0xFFFFFFF0];
	v3 =	vadd.f32 v3, v38;
	v58 =	vmul.f32 v39, v8;
	v59 =	vmul.f32 v37, v18  }
0x111: {  	v42 =	vld [tilespmem:s25+$0x0];
	[tilespmem:$0x1FE40] =	vst v60;
	v60 =	vmul.f32 v39, v6;
	v52 =	vmul.f32 v39, v9  }
0x112: {  	[tilespmem:$0x1FE50] =	vst v61;
	v3 =	vmin.f32 v32, v3;
	v53 =	vmul.f32 v36, v14;
	v61 =	vmul.f32 v47, v25  }
0x113: {  	v34 =	vld [tilespmem:s26+$0x0];
	[tilespmem:$0x1FE60] =	vst v3;
	v55 =	vmul.f32 v37, v21;
	v4 =	vmul.f32 v47, v23  }
0x114: {  	v3 =	vmin.f32 v33, v41;
	[tilespmem:$0x1FEA0] =	vst v9;
	v5 =	vmul.f32 v39, v12;
	v9 =	vmul.f32 v37, v15  }
0x115: {  	v33 =	vimm.f32 $+Inf;
	[tilespmem:$0x1FEB0] =	vst v12;
	v12 =	vmul.f32 v29, v31;
	v32 =	vmul.f32 v36, v11  }
0x116: {  	v46 =	vmul.f32 v29, v27;
	v45 =	vadd.f32 v40, v63;
	v48 =	vadd.f32 v42, v58  }
0x117: {  	v36 =	vmul.f32 v36, v7;
	v41 =	vadd.f32 v40, v56;
	v50 =	vadd.f32 v42, v60  }
0x118: {  	v51 =	vmul.f32 v34, v57;
	v54 =	vadd.f32 v40, v62;
	v52 =	vadd.f32 v42, v52  }
0x119: {  	v53 =	vadd.f32 v40, v53;
	v62 =	vmul.f32 v34, v15;
	v43 =	vadd.f32 v40, v43  }
0x11a: {  	[tilespmem:$0x1FE80] =	vst v8;
	v63 =	vmul.f32 v37, v22;
	v8 =	vadd.f32 v42, v5;
	v44 =	vadd.f32 v40, v44  }
0x11b: {  	[tilespmem:$0x1FEC0] =	vst v15;
	v15 =	vmul.f32 v34, v18;
	v48 =	vadd.f32 v48, v51;
	v49 =	vadd.f32 v54, v59  }
0x11c: {  	[tilespmem:$0x1FE90] =	vst v6;
	v6 =	vmul.f32 v34, v21;
	v41 =	vadd.f32 v41, v55;
	v51 =	vadd.f32 v53, v63  }
0x11d: {  	v60 =	vmul.f32 v29, v26;
	v43 =	vadd.f32 v43, v9;
	v52 =	vadd.f32 v52, v15  }
0x11e: {  	v53 =	vadd.f32 v40, v32;
	v63 =	vmul.f32 v29, v23;
	v40 =	vadd.f32 v40, v36  }
0x11f: {  	[tilespmem:$0x1FF00] =	vst v14;
	v9 =	vmul.f32 v39, v14;
	v14 =	vmul.f32 v39, v7;
	v38 =	vadd.f32 v48, v61  }
0x120: {  	v59 =	vmul.f32 v34, v17;
	v48 =	vadd.f32 v50, v62;
	v41 =	vadd.f32 v41, v13  }
0x121: {  	v13 =	vmul.f32 v37, v19;
	v50 =	vadd.f32 v8, v6;
	v56 =	vadd.f32 v51, v12  }
0x122: {  	v61 =	vmul.f32 v47, v30;
	v49 =	vadd.f32 v49, v60;
	v62 =	vmul.f32 v47, v26  }
0x123: {  	v6 =	vmul.f32 v37, v57;
	v8 =	vadd.f32 v43, v63;
	v15 =	vadd.f32 v42, v9  }
0x124: {  	v43 =	vmul.f32 v29, v25;
	v58 =	vadd.f32 v42, v14;
	v48 =	vadd.f32 v48, v4  }
0x125: {  	v60 =	vmul.f32 v37, v17;
	v45 =	vadd.f32 v45, v13;
	v50 =	vadd.f32 v50, v61  }
0x126: {  	v4 =	vmul.f32 v37, v16;
	v5 =	vadd.f32 v52, v62;
	v12 =	vmin.f32 v33, v49  }
0x127: {  	v51 =	vadd.f32 v44, v6;
	v13 =	vmul.f32 v39, v10;
	v39 =	vmul.f32 v39, v11  }
0x128: {  	[tilespmem:$0x1FED0] =	vst v18;
	v41 =	vmin.f32 v33, v41;
	v44 =	vmul.f32 v47, v31;
	v61 =	vmul.f32 v34, v19  }
0x129: {  	[tilespmem:$0x1FEE0] =	vst v16;
	v58 =	vadd.f32 v58, v59;
	v59 =	vmul.f32 v47, v20;
	v62 =	vmul.f32 v34, v22  }
0x12a: {  	[tilespmem:$0x1FEF0] =	vst v57;
	v63 =	vmin.f32 v33, v8;
	v36 =	vmin.f32 v12, v5;
	v52 =	vadd.f32 v53, v4  }
0x12b: {  	[tilespmem:$0x1FF10] =	vst v10;
	v32 =	vadd.f32 v42, v13;
	v49 =	vadd.f32 v42, v39;
	v37 =	vmin.f32 v41, v50  }
0x12c: {  	[tilespmem:$0x1FF20] =	vst v7;
	v53 =	vadd.f32 v45, v46;
	v50 =	vadd.f32 v40, v60;
	v46 =	vmul.f32 v47, v27  }
0x12d: {  	[tilespmem:$0x1FF30] =	vst v11;
	v45 =	vmul.f32 v47, v28;
	v47 =	vmin.f32 v33, v56;
	v39 =	vmin.f32 v63, v48  }
0x12e: {  	s28 =	simm.s32 $0x30;
	[tilespmem:$0x1FF40] =	vst v17;
	v48 =	vadd.f32 v58, v59;
	v55 =	vadd.f32 v15, v62;
	v42 =	vimm.f32 $+Inf  }
0x12f: {  	s1 =	simm.s32 $0x2030;
	s0 =	simm.s32 $0x0;
	s26 =	simm.s32 $0x1030;
	[tilespmem:$0x1FE70] =	vst v3;
	v41 =	vimm.f32 $+Inf;
	v40 =	vimm.f32 $+Inf;
	v54 =	vadd.f32 v32, v61  }
.LBB2_7:
0x130: {  	v56 =	vld [tilespmem:s28+$0xFFFFFFF0]  }
0x131: {  	v60 =	vld [tilespmem:s1+$0xFFFFFFF0]  }
0x132: {  	v6 =	vld [tilespmem:$0x1FEE0]  }
0x133: {  	v3 =	vld [tilespmem:$0x1FE90]  }
0x134: {  	v5 =	vld [tilespmem:$0x1FEA0]  }
0x135: {  	v14 =	vld [tilespmem:$0x1FF10]  }
0x136: {  	v17 =	vld [tilespmem:$0x1FF30]  }
0x137: {  	v10 =	vld [tilespmem:$0x1FEB0]  }
0x138: {  	v29 =	vmul.f32 v29, v20;
	v9 =	vld [tilespmem:$0x1FED0];
	v43 =	vadd.f32 v51, v43;
	v35 =	vadd.f32 v52, v35  }
0x139: {  	v33 =	vmin.f32 v33, v53;
	v44 =	vadd.f32 v55, v44;
	v52 =	vld [tilespmem:s26+$0xFFFFFFF0]  }
0x13a: {  	v53 =	vld [tilespmem:s28+$0x0];
	v7 =	vadd.f32 v50, v29;
	v42 =	vmin.f32 v42, v35;
	v61 =	vmin.f32 v41, v43  }
0x13b: {  	v4 =	vld [tilespmem:$0x1FE80];
	v41 =	vmin.f32 v61, v38;
	v34 =	vmul.f32 v34, v6;
	v38 =	vmul.f32 v56, v3  }
0x13c: {  	v55 =	vld [tilespmem:s1+$0x0];
	v47 =	vmin.f32 v47, v44;
	v44 =	vmul.f32 v56, v5;
	v35 =	vmul.f32 v60, v28  }
0x13d: {  	s25 =	sadd.s32 $0x20, s25;
	v46 =	vadd.f32 v54, v46;
	v29 =	vmovc v60;
	v63 =	vmul.f32 v56, v14;
	v54 =	vmul.f32 v56, v17  }
0x13e: {  	v50 =	vld [tilespmem:s25+$0x0];
	v40 =	vmin.f32 v40, v7;
	v7 =	vmul.f32 v56, v10;
	v51 =	vmul.f32 v29, v30  }
0x13f: {  	v40 =	vmin.f32 v40, v48;
	v48 =	vmul.f32 v52, v9;
	v11 =	vmul.f32 v53, v3  }
0x140: {  	v58 =	vmul.f32 v29, v27;
	v60 =	vmul.f32 v53, v4  }
0x141: {  	v43 =	vmul.f32 v29, v25;
	v24 =	vmul.f32 v55, v30;
	v34 =	vadd.f32 v49, v34;
	v49 =	vld [tilespmem:s25+$0xFFFFFFF0]  }
0x142: {  	v33 =	vmin.f32 v33, v46;
	v15 =	vmul.f32 v55, v25;
	v10 =	vmul.f32 v53, v10  }
0x143: {  	v18 =	vld [tilespmem:$0x1FEF0];
	v14 =	vmul.f32 v53, v14;
	v46 =	vadd.f32 v50, v11;
	v60 =	vadd.f32 v50, v60  }
0x144: {  	v8 =	vmul.f32 v52, v21;
	v10 =	vadd.f32 v50, v10;
	v62 =	vadd.f32 v34, v45;
	v34 =	vld [tilespmem:s26+$0x0]  }
0x145: {  	v11 =	vld [tilespmem:$0x1FF40];
	v14 =	vadd.f32 v50, v14;
	v45 =	vmul.f32 v56, v4;
	v4 =	vmul.f32 v52, v6  }
0x146: {  	v42 =	vmin.f32 v42, v62;
	v57 =	vadd.f32 v49, v63;
	v59 =	vadd.f32 v49, v7  }
0x147: {  	v62 =	vmul.f32 v53, v5;
	v5 =	vld [tilespmem:$0x1FF00];
	v13 =	vadd.f32 v49, v44;
	v3 =	vadd.f32 v49, v45  }
0x148: {  	v32 =	vadd.f32 v49, v38;
	v7 =	vmul.f32 v29, v31;
	v44 =	vmul.f32 v55, v31  }
0x149: {  	v45 =	vmul.f32 v52, v22;
	v54 =	vadd.f32 v49, v54;
	v61 =	vmul.f32 v34, v18  }
0x14a: {  	v63 =	vmul.f32 v34, v11;
	v13 =	vadd.f32 v13, v48;
	v48 =	vmul.f32 v34, v9  }
0x14b: {  	v16 =	vld [tilespmem:$0x1FF20];
	v8 =	vadd.f32 v59, v8;
	v9 =	vmul.f32 v55, v23;
	v59 =	vmul.f32 v55, v20  }
0x14c: {  	v62 =	vadd.f32 v50, v62;
	v11 =	vmul.f32 v52, v11;
	v12 =	vmul.f32 v56, v5  }
0x14d: {  	v60 =	vadd.f32 v60, v61;
	v61 =	vmul.f32 v34, v21;
	v8 =	vadd.f32 v8, v51  }
0x14e: {  	v51 =	vmul.f32 v52, v18;
	v48 =	vadd.f32 v62, v48;
	v6 =	vadd.f32 v49, v12  }
0x14f: {  	v62 =	vmul.f32 v53, v17;
	v38 =	vadd.f32 v60, v15;
	v15 =	vld [tilespmem:$0x1FEC0];
	v10 =	vadd.f32 v10, v61  }
0x150: {  	v8 =	vmin.f32 v37, v8;
	v37 =	vmul.f32 v53, v16;
	v6 =	vadd.f32 v6, v45  }
0x151: {  	v61 =	vmul.f32 v56, v16;
	v51 =	vadd.f32 v3, v51;
	v10 =	vadd.f32 v10, v24  }
0x152: {  	v60 =	vmul.f32 v53, v5;
	v24 =	vadd.f32 v50, v37;
	v6 =	vadd.f32 v6, v7  }
0x153: {  	v56 =	vmul.f32 v29, v23;
	v7 =	vadd.f32 v49, v61;
	v49 =	vadd.f32 v50, v62  }
0x154: {  	v37 =	vmin.f32 v8, v10;
	v12 =	vmul.f32 v34, v15;
	v5 =	vmul.f32 v52, v15  }
0x155: {  	v63 =	vadd.f32 v24, v63;
	v15 =	vmul.f32 v52, v19;
	v52 =	vmul.f32 v29, v26  }
0x156: {  	v47 =	vmin.f32 v47, v6;
	v45 =	vadd.f32 v46, v12;
	v5 =	vadd.f32 v32, v5  }
0x157: {  	s0 =	sadd.s32 $0x2, s0;
	v12 =	vmul.f32 v34, v19;
	v32 =	vadd.f32 v50, v60;
	v15 =	vadd.f32 v57, v15  }
0x158: {  	p1 =	slt.u32 s0, $0xFE;
	v46 =	vmul.f32 v55, v27;
	v13 =	vadd.f32 v13, v52;
	v52 =	vadd.f32 v54, v4  }
.Ltmp2:
0x159: {  	v9 =	vadd.f32 v45, v9;
	v45 =	vmul.f32 v55, v28;
	v55 =	vmul.f32 v55, v26;
	(pc) =	sbr.rel @p1 .LBB2_7-.Ltmp2, $4  }
0x15a: {  	v60 =	vmul.f32 v34, v22;
	v50 =	vadd.f32 v7, v11;
	v5 =	vadd.f32 v5, v56  }
0x15b: {  	v13 =	vmin.f32 v36, v13;
	v53 =	vadd.f32 v15, v58;
	v61 =	vadd.f32 v48, v55  }
0x15c: {  	v54 =	vadd.f32 v14, v12;
	v3 =	vmin.f32 v39, v5;
	v48 =	vadd.f32 v63, v59  }
0x15d: {  	s1 =	sadd.s32 $0x20, s1;
	s28 =	sadd.s32 $0x20, s28;
	s26 =	sadd.s32 $0x20, s26;
	v55 =	vadd.f32 v32, v60;
	v39 =	vmin.f32 v3, v9;
	v36 =	vmin.f32 v13, v61  }
0x15e: {  	v25 =	vld [tilespmem:$0x1FE70]  }
0x15f: {  	v3 =	vld [tilespmem:$0x1FE40]  }
0x160: {  	v4 =	vld [tilespmem:$0x1FEE0]  }
0x161: {  	v8 =	vld [tilespmem:$0x1FE30]  }
0x162: {  	(xrf0) =	vmin.scan.msk.f32 $0xffff, v2;
	v5 =	vmul.f32 v29, v20;
	v29 =	vld [tilespmem:$0x1FE60]  }
0x163: {  	(xrf0) =	vmin.scan.msk.f32 $0xffff, v25  }
0x164: {  	v28 =	vmin.f32 v33, v53;
	v33 =	vld [tilespmem:$0x1FE50];
	(xrf0) =	vmin.scan.msk.f32 $0xffff, v3  }
0x165: {  	v26 =	vadd.f32 v51, v43;
	v27 =	vadd.f32 v52, v35;
	(xrf0) =	vmin.scan.msk.f32 $0xffff, v0  }
0x166: {  	v6 =	vadd.f32 v54, v46;
	vm0 =	vmmov $0x1;
	v5 =	vadd.f32 v50, v5;
	(xrf0) =	vmin.scan.msk.f32 $0xffff, v8  }
0x167: {  	vm14 =	vmmov $0x3;
	v7 =	vadd.f32 v55, v44;
	v4 =	vmul.f32 v34, v4;
	(xrf0) =	vmin.scan.msk.f32 $0xffff, v29  }
0x168: {  	vm15 =	vmmov $0x7;
	v2 =	vmin.f32 v41, v26;
	v5 =	vmin.f32 v40, v5;
	v30, _, _ =	vpop (xrf0);
	(xrf0) =	vmin.scan.msk.f32 $0xffff, v1  }
0x169: {  	v31 =	vmin.f32 v47, v7;
	v5 =	vmin.f32 v5, v48;
	v4 =	vadd.f32 v49, v4;
	v32, _, _ =	vpop (xrf0);
	(xrf0) =	vmin.scan.msk.f32 $0xffff, v33  }
0x16a: {  	v0 =	vmin.f32 v28, v6;
	v6 =	vbroadcast v30, $0xF;
	v7 =	vbroadcast v32, $0xF;
	v34, _, _ =	vpop (xrf0);
	(xrf0) =	vmin.scan.msk.f32 $0xffff, v39  }
0x16b: {  	vm4 =	vmmov $0xf;
	v2 =	vmin.f32 v2, v38;
	v35 =	vbroadcast v34, $0xF;
	v38, _, _ =	vpop (xrf0);
	(xrf0) =	vmin.scan.msk.f32 $0xffff, v5  }
0x16c: {  	v4 =	vadd.f32 v4, v45;
	v39 =	vsel vm0, v6, v7;
	v40 =	vbroadcast v38, $0xF;
	v41, _, _ =	vpop (xrf0);
	(xrf0) =	vmin.scan.msk.f32 $0xffff, v2  }
0x16d: {  	v3 =	vmin.f32 v42, v27;
	v42 =	vsel vm14, v39, v35;
	v43 =	vbroadcast v41, $0xF;
	v44, _, _ =	vpop (xrf0);
	(xrf0) =	vmin.scan.msk.f32 $0xffff, v36  }
0x16e: {  	v3 =	vmin.f32 v3, v4;
	v2 =	vsel vm15, v42, v40;
	v5 =	vbroadcast v44, $0xF;
	v45, _, _ =	vpop (xrf0);
	(xrf0) =	vmin.scan.msk.f32 $0xffff, v0  }
0x16f: {  	vm5 =	vmmov $0x1f;
	v46 =	vsel vm4, v2, v43;
	v47 =	vbroadcast v45, $0xF;
	v48, _, _ =	vpop (xrf0);
	(xrf0) =	vmin.scan.msk.f32 $0xffff, v3  }
0x170: {  	vm6 =	vmmov $0x3f;
	v0 =	vsel vm5, v46, v5;
	v49 =	vbroadcast v48, $0xF;
	v50, _, _ =	vpop (xrf0);
	(xrf0) =	vmin.scan.msk.f32 $0xffff, v37  }
0x171: {  	vm7 =	vmmov $0x7f;
	v51, _, _ =	vpop (xrf0);
	v0 =	vsel vm6, v0, v47;
	v52 =	vbroadcast v50, $0xF  }
0x172: {  	vm8 =	vmmov $0xff;
	v53, _, _ =	vpop (xrf0);
	v0 =	vsel vm7, v0, v49;
	v54 =	vbroadcast v51, $0xF  }
0x173: {  	vm9 =	vmmov $0x1ff;
	(xrf0) =	vmin.scan.msk.f32 $0xffff, v31;
	v0 =	vsel vm8, v0, v52;
	v55 =	vbroadcast v53, $0xF;
	v56, _, _ =	vpop (xrf0)  }
0x174: {  	vm10 =	vmmov $0x3ff;
	v57, _, _ =	vpop (xrf0);
	v0 =	vsel vm9, v0, v54;
	v58 =	vbroadcast v56, $0xF  }
0x175: {  	vm11 =	vmmov $0x7ff;
	s23 =	sadd.s32 $0x1, s23;
	v59, _, _ =	vpop (xrf0);
	v0 =	vsel vm10, v0, v55;
	v1 =	vbroadcast v57, $0xF  }
0x176: {  	vm12 =	vmmov $0xfff;
	p1 =	sne.s32 s23, $0x20;
	v60, _, _ =	vpop (xrf0);
	v0 =	vsel vm11, v0, v58;
	v61 =	vbroadcast v59, $0xF  }
.Ltmp3:
0x177: {  	vm13 =	vmmov $0x1fff;
	v0 =	vsel vm12, v0, v1;
	v62 =	vbroadcast v60, $0xF;
	(pc) =	sbr.rel @p1 .LBB2_4-.Ltmp3, $4  }
0x178: {  	vm14 =	vmmov $0x3fff;
	v0 =	vsel vm13, v0, v61  }
0x179: {  	vm15 =	vmmov $0x7fff;
	v63, _, _ =	vpop (xrf0);
	v0 =	vsel vm14, v0, v62  }
0x17a: {  	v0 =	vsel vm15, v0, v63  }
0x17b: {  	[tilespmem:s24+$0x4600] =	vst v0  }
0x17c: {  	s25 =	simm.s32 $0x4420  }
0x17d: {  	s0 =	simm.s32 $0x4620;
	v0 =	vld [tilespmem:s25+$0x0]  }
0x17e: {  	v3 =	vld [tilespmem:s0+$0x10]  }
0x17f: {  	v1 =	vld [tilespmem:s25+$0xFFFFFFF0]  }
0x180: {  	v2 =	vld [tilespmem:s0+$0x0]  }
0x181: {  	v6 =	vld [tilespmem:s25+$0xFFFFFFE0]  }
0x182: {  	v4 =	vld [tilespmem:s0+$0xFFFFFFF0]  }
0x183: {  	s1 =	simm.s32 $0x4020;
	v11 =	vld [tilespmem:s0+$0xFFFFFFE0]  }
0x184: {  	s23 =	simm.s32 $0x4220;
	v5 =	vld [tilespmem:s1+$0xFFFFFFE0]  }
0x185: {  	v8 =	vld [tilespmem:s23+$0xFFFFFFE0]  }
0x186: {  	v13 =	vld [tilespmem:s1+$0xFFFFFFF0]  }
0x187: {  	v14 =	vld [tilespmem:s1+$0x0]  }
0x188: {  	v10 =	vld [tilespmem:s23+$0xFFFFFFF0]  }
0x189: {  	v9 =	vld [tilespmem:s1+$0x10];
	v15 =	vmul.f32 v5, v5  }
0x18a: {  	v7 =	vld [tilespmem:s23+$0x0]  }
0x18b: {  	v12 =	vmul.f32 v8, v8;
	v13 =	vmul.f32 v13, v13;
	v8 =	vld [tilespmem:s23+$0x10];
	v15 =	vadd.f32 v15, v11  }
0x18c: {  	s24 =	simm.s32 $0x0;
	v5 =	vimm.f32 $0.0e+00;
	v14 =	vmul.f32 v14, v14;
	v11 =	vmul.f32 v6, v6;
	v6 =	vld [tilespmem:s25+$0x10];
	s25 =	simm.s32 $0x4460  }
.LBB2_10:
0x18d: {  	v16 =	vld [tilespmem:s25+$0x0];
	v12 =	vadd.f32 v12, v15;
	v4 =	vadd.f32 v13, v4;
	v10 =	vmul.f32 v10, v10;
	s0 =	sadd.s32 $0x40, s0  }
0x18e: {  	v15 =	vmul.f32 v1, v1;
	v13 =	vld [tilespmem:s0+$0x10];
	v14 =	vadd.f32 v14, v2;
	v9 =	vmul.f32 v9, v9  }
0x18f: {  	v1 =	vld [tilespmem:s25+$0xFFFFFFF0];
	v11 =	vadd.f32 v11, v12;
	v4 =	vadd.f32 v10, v4;
	v7 =	vmul.f32 v7, v7  }
0x190: {  	v10 =	vmul.f32 v0, v0;
	v2 =	vld [tilespmem:s0+$0x0];
	v12 =	vadd.f32 v9, v3;
	v8 =	vmul.f32 v8, v8  }
0x191: {  	v17 =	vld [tilespmem:s25+$0xFFFFFFE0];
	v11 =	vmax.f32 v11, $0.0e+00;
	v9 =	vadd.f32 v15, v4;
	v7 =	vadd.f32 v7, v14  }
0x192: {  	v6 =	vmul.f32 v6, v6;
	v4 =	vld [tilespmem:s0+$0xFFFFFFF0];
	v5 =	vadd.f32 v11, v5;
	v0 =	vmov v16  }
0x193: {  	s1 =	sadd.s32 $0x40, s1;
	v8 =	vadd.f32 v8, v12;
	v11 =	vld [tilespmem:s0+$0xFFFFFFE0];
	v9 =	vmax.f32 v9, $0.0e+00;
	v7 =	vadd.f32 v10, v7;
	v3 =	vmovc v13  }
0x194: {  	s24 =	sadd.s32 $0x4, s24;
	s23 =	sadd.s32 $0x40, s23;
	v12 =	vld [tilespmem:s1+$0xFFFFFFE0];
	v5 =	vadd.f32 v9, v5  }
0x195: {  	p1 =	slt.u32 s24, $0x1C;
	v6 =	vadd.f32 v6, v8;
	v13 =	vld [tilespmem:s23+$0xFFFFFFE0];
	v7 =	vmax.f32 v7, $0.0e+00  }
0x196: {  	v8 =	vld [tilespmem:s1+$0xFFFFFFF0];
	v5 =	vadd.f32 v7, v5  }
0x197: {  	v6 =	vmax.f32 v6, $0.0e+00;
	v14 =	vld [tilespmem:s1+$0x0]  }
.Ltmp4:
0x198: {  	v10 =	vld [tilespmem:s23+$0xFFFFFFF0];
	v5 =	vadd.f32 v6, v5;
	(pc) =	sbr.rel @p1 .LBB2_10-.Ltmp4, $4  }
0x199: {  	v6 =	vmul.f32 v12, v12;
	v9 =	vld [tilespmem:s1+$0x10]  }
0x19a: {  	v7 =	vld [tilespmem:s23+$0x0]  }
0x19b: {  	v12 =	vmul.f32 v13, v13;
	v15 =	vadd.f32 v6, v11;
	v13 =	vmul.f32 v8, v8;
	v8 =	vld [tilespmem:s23+$0x10]  }
0x19c: {  	v11 =	vmul.f32 v17, v17;
	v14 =	vmul.f32 v14, v14;
	v6 =	vld [tilespmem:s25+$0x10];
	s25 =	sadd.s32 $0x40, s25  }
0x19d: {  	v12 =	vadd.f32 v12, v15;
	v4 =	vadd.f32 v13, v4;
	v10 =	vmul.f32 v10, v10  }
0x19e: {  	v1 =	vmul.f32 v1, v1;
	v2 =	vadd.f32 v14, v2;
	v9 =	vmul.f32 v9, v9  }
0x19f: {  	v11 =	vadd.f32 v11, v12;
	v4 =	vadd.f32 v10, v4;
	v7 =	vmul.f32 v7, v7  }
0x1a0: {  	v0 =	vmul.f32 v0, v0;
	v3 =	vadd.f32 v9, v3;
	v8 =	vmul.f32 v8, v8  }
0x1a1: {  	v59 =	vmax.f32 v11, $0.0e+00;
	v1 =	vadd.f32 v1, v4;
	v2 =	vadd.f32 v7, v2  }
0x1a2: {  	v61 =	vmul.f32 v6, v6;
	v60 =	vadd.f32 v59, v5  }
0x1a3: {  	v62 =	vadd.f32 v8, v3;
	v1 =	vmax.f32 v1, $0.0e+00;
	v0 =	vadd.f32 v0, v2  }
0x1a4: {  	v1 =	vadd.f32 v1, v60  }
0x1a5: {  	v2 =	vadd.f32 v61, v62;
	v0 =	vmax.f32 v0, $0.0e+00  }
0x1a6: {  	v0 =	vadd.f32 v0, v1  }
0x1a7: {  	v63 =	vmax.f32 v2, $0.0e+00  }
0x1a8: {  	v0 =	vadd.f32 v63, v0;
	_ =	sdelay $0x1  }
0x1a9: {  	[tilespmem:$0x4800] =	vst v0  }
0x1aa: {  	[hbm4b:s9+s2] =	stream.linear.scatter [tilespmem:s21], [sflag:$0x1], $0x80, $0x38;
	[tilespmem:$0x4D00] =	vst v63  }
0x1ab: {  	_ =	swait.ge [sflag:s15], $0x80  }
0x1ac: {  	[sflag:s15] =	ssyncset.done $0x0  }
0x1ad: {  	[sflag:s15] =	ssyncadd.s32 $0xFFFFFF80  }
0x1ae: {  	s0 =	simm.s32 @!p0 $0x0;
	s1 =	simm.s32 @!p0 $0x4880;
	[bflag:$0x0] =	sbarrier.arrive $0xFFFF  }
0x1af: {  	[tilespmem:s1], [sflag:$0x1] =	stream.linear.gather @!p0 [hbm4b:s10+s0], $0x400, $0x38;
	[tilespmem:$0x4D00] =	vst v63  }
0x1b0: {  	s1 =	simm.s32 @!p0 $0x1  }
0x1b1: {  	_ =	swait.ge @!p0 [sflag:s1], $0x400  }
0x1b2: {  	[sflag:s1] =	ssyncset.done @!p0 $0x0  }
0x1b3: {  	[sflag:s1] =	ssyncadd.s32 @!p0 $0xFFFFFC00  }
0x1b4: {  	v0 =	vld @!p0 [tilespmem:$0x4880]  }
0x1b5: {  	v1 =	vld @!p0 [tilespmem:$0x4900];
	_ =	sdelay $0x1  }
0x1b6: {  	v2 =	vld @!p0 [tilespmem:$0x4980];
	_ =	sdelay $0x1  }
0x1b7: {  	v3 =	vld @!p0 [tilespmem:$0x4A00]  }
0x1b8: {  	v0 =	vadd.f32 @!p0 v1, v0  }
0x1b9: {  	v1 =	vld @!p0 [tilespmem:$0x4A80]  }
0x1ba: {  	v0 =	vadd.f32 @!p0 v2, v0  }
0x1bb: {  	v2 =	vld @!p0 [tilespmem:$0x4B00]  }
0x1bc: {  	v0 =	vadd.f32 @!p0 v3, v0  }
0x1bd: {  	v3 =	vld @!p0 [tilespmem:$0x4B80]  }
0x1be: {  	v0 =	vadd.f32 @!p0 v1, v0  }
0x1bf: {  	v1 =	vld @!p0 [tilespmem:$0x4C00]  }
0x1c0: {  	v0 =	vadd.f32 @!p0 v2, v0;
	_ =	sdelay $0x1  }
0x1c1: {  	v0 =	vadd.f32 @!p0 v3, v0;
	_ =	sdelay $0x1  }
0x1c2: {  	v0 =	vadd.f32 @!p0 v1, v0;
	_ =	sdelay $0x1  }
0x1c3: {  	v0 =	vmul.f32 @!p0 $2.441406250e-04, v0;
	_ =	sdelay $0x1  }
0x1c4: {  	(xrf2) =	vadd.scan.msk.f32 @!p0 $0xffff, v0;
	_ =	sdelay $0x9  }
0x1c5: {  	v0, _, _ =	vpop @!p0 (xrf2)  }
0x1c6: {  	s22 =	sadd.s32 $0x1, s22;
	v0 =	vbroadcast @!p0 v0, $0xF  }
0x1c7: {  	p1 =	sne.s32 s22, s12  }
.Ltmp5:
0x1c8: {  	s23 =	simm.s32 @!p0 $0x4C80;
	[tilespmem:$0x4C80] =	vst @!p0 v0;
	(pc) =	sbr.rel @p1 .LBB2_1-.Ltmp5, $4  }
0x1c9: {  	[hbm4b:s11+s0] =	stream.linear.scatter @!p0 [tilespmem:s23], [sflag:$0x1], $0x80, $0x38;
	[tilespmem:$0x4D00] =	vst v63  }
0x1ca: {  	_ =	swait.ge @!p0 [sflag:s1], $0x80  }
0x1cb: {  	[sflag:s1] =	ssyncset.done @!p0 $0x0  }
0x1cc: {  	[sflag:s1] =	ssyncadd.s32 @!p0 $0xFFFFFF80  }
0x1cd: {  	_ =	sfence.sel $0x180000  }
0x1ce: {  	[bflag:$0x0] =	sbarrier.arrive $0xFFFF  }
0x1cf: {  	_ =	strace $0x90000047  }
0x1d0: {  	s0 =	stileid.u32;
	[bflag:$0x2] =	sbarrier.arrive $0xFFFF  }
0x1d1: {  	p0 =	sne.s32 s0, $0x0;
	s0 =	rddreg [dreg:$0x1]  }
0x1d2: {  	s0 =	sadd.s32 @!p0 $0x100000, s0  }
0x1d3: {  	[sflag:s0] =	ssyncadd.tile.s32 @!p0 $0x1;
	_ =	shalt  }
.Lfunc_end2:
_tile_overlayer_lowered:
.L_overlay_start_2:
0x1d4: {  	(tag) =	ssettag $0x2  }
0x1d5: {  	s0 =	rddreg [dreg:$0x0];
	s2 =	stileid.u32  }
0x1d6: {  	s1 =	rddreg [dreg:$0x1];
	p0 =	sne.s32 s2, $0x0  }
0x1d7: {  	s3 =	rddreg [dreg:$0x2];
	[bflag:$0x3] =	sbarrier.arrive $0xFFFF;
	s2 =	simm.s32 @!p0 $0x1C01  }
0x1d8: {  	[timem:s3], [sflag:s2] =	dma.local @!p0 [hbm:s0], s1  }
0x1d9: {  	s0 =	simm.s32 @!p0 $0x1  }
0x1da: {  	_ =	swait.ge @!p0 [sflag:s0], s1  }
0x1db: {  	s1 =	ssub.s32 @!p0 $0x0, s1;
	[sflag:s0] =	ssyncset.done @!p0 $0x0  }
0x1dc: {  	[sflag:s0] =	ssyncadd.s32 @!p0 s1  }
0x1dd: {  	[bflag:$0x3] =	sbarrier.arrive $0xFFFF  }
0x1de: {  	_ =	shalt  }

</sc_bundles>
